<compile_context>
chip_gen: v7x
topology: tpu7x:2x2x1
jax: 0.10.2.dev20260603
libtpu: 0.0.44.dev20260713+nightly
codegen_flags: <defaults>
</compile_context>

<pallas_src>
import functools

import jax
import jax.numpy as jnp
from jax import lax
from jax.experimental import pallas as pl
from jax.experimental.pallas import tpu as pltpu
from jax.experimental.pallas import tpu_sc as plsc

VOCAB = 100000
D = 64
DP = 128
BT = 16384
NC, NS = 2, 16
NW = NC * NS
BPW = BT // NW
CHUNK = 128
NCHUNK = BPW // CHUNK
NBUF = 3


@functools.cache
def _build_sc_gather():
    mesh = plsc.VectorSubcoreMesh(core_axis_name="c", subcore_axis_name="s")

    @functools.partial(
        pl.kernel,
        mesh=mesh,
        out_type=jax.ShapeDtypeStruct((BT, DP), jnp.float32),
        scratch_types=[
            pltpu.VMEM((NCHUNK, CHUNK), jnp.int32),
        ]
        + [pltpu.VMEM((CHUNK, DP), jnp.float32) for _ in range(NBUF)]
        + [pltpu.SemaphoreType.DMA, pltpu.SemaphoreType.DMA],
    )
    def _sc_gather(tab, idx, out, idx_v, *bufs_and_sems):
        bufs = bufs_and_sems[:NBUF]
        gsem, osem = bufs_and_sems[NBUF:]
        wid = lax.axis_index("s") * NC + lax.axis_index("c")
        pltpu.sync_copy(idx.at[pl.ds(wid * NCHUNK, NCHUNK)], idx_v)
        base = wid * BPW
        g = [None] * NCHUNK
        o = [None] * NCHUNK
        for j in range(min(NBUF, NCHUNK)):
            g[j] = pltpu.async_copy(tab.at[idx_v.at[j]], bufs[j % NBUF], gsem)
        for j in range(NCHUNK):
            dst = pl.ds(base + j * CHUNK, CHUNK)
            g[j].wait()
            o[j] = pltpu.async_copy(bufs[j % NBUF], out.at[dst], osem)
            nxt = j + NBUF
            if nxt < NCHUNK:
                o[j].wait()
                g[nxt] = pltpu.async_copy(tab.at[idx_v.at[nxt]], bufs[nxt % NBUF], gsem)
        for j in range(NCHUNK):
            if o[j] is not None and j + NBUF >= NCHUNK:
                o[j].wait()

    return _sc_gather


def _prob_body(a_ref, b_ref, pa_ref, pb_ref, o_ref):
    ap = a_ref[...]
    bp = b_ref[...]
    pa = pa_ref[...][:, :, None] == 1
    pb = pb_ref[...][:, :, None] == 1
    a = jnp.where(pa, ap[:, :, D:], ap[:, :, :D])
    b = jnp.where(pb, bp[:, :, D:], bp[:, :, :D])
    dot = jnp.sum(a * b, axis=2)
    na = jnp.sqrt(jnp.sum(a * a, axis=2))
    nb = jnp.sqrt(jnp.sum(b * b, axis=2))
    denom = jnp.maximum(na * nb, 1e-8)
    o_ref[...] = (1.0 + dot / denom) * 0.5


RB = 16
_prob = pl.pallas_call(
    _prob_body,
    grid=(BT // (RB * 128),),
    in_specs=[
        pl.BlockSpec((RB, 128, DP), lambda i: (i, 0, 0)),
        pl.BlockSpec((RB, 128, DP), lambda i: (i, 0, 0)),
        pl.BlockSpec((RB, 128), lambda i: (i, 0)),
        pl.BlockSpec((RB, 128), lambda i: (i, 0)),
    ],
    out_specs=pl.BlockSpec((RB, 128), lambda i: (i, 0)),
    out_shape=jax.ShapeDtypeStruct((BT // 128, 128), jnp.float32),
)


def kernel(center_table, context_table, center, context):
    cp = center_table.reshape(VOCAB // 2, DP)
    xp = context_table.reshape(VOCAB // 2, DP)
    c32 = center.astype(jnp.int32)
    x32 = context.astype(jnp.int32)
    ci = (c32 >> 1).reshape(NW * NCHUNK, CHUNK)
    xi = (x32 >> 1).reshape(NW * NCHUNK, CHUNK)
    pa = (c32 & 1).reshape(BT // 128, 128)
    pb = (x32 & 1).reshape(BT // 128, 128)
    g = _build_sc_gather()
    a = g(cp, ci).reshape(BT // 128, 128, DP)
    b = g(xp, xi).reshape(BT // 128, 128, DP)
    return _prob(a, b, pa, pb).reshape(BT)

# --- scband reference (transcript-rebuilt; emitter-appended) ---
"""Pipeline reference for scband-word2-vec-38706245272150 (READ-ONLY COPY).

The authoritative reference and input builder live on the scoring server;
editing this copy changes nothing except your own understanding.
"""

import jax, jax.numpy as jnp
import numpy as np

VOCAB = 100000
EMBED_DIM = 64
BATCH = 16384


def setup_inputs(seed: int = 0) -> dict:
    key = jax.random.key(seed)
    k1, k2, k3, k4 = jax.random.split(key, 4)
    center_table = jax.random.normal(k1, (VOCAB, EMBED_DIM), dtype=jnp.float32)
    context_table = jax.random.normal(k2, (VOCAB, EMBED_DIM), dtype=jnp.float32)
    center = jax.random.randint(k3, (BATCH,), 0, VOCAB, dtype=jnp.int64 if jax.config.jax_enable_x64 else jnp.int32)
    context = jax.random.randint(k4, (BATCH,), 0, VOCAB, dtype=jnp.int64 if jax.config.jax_enable_x64 else jnp.int32)
    return {
        "center_table": center_table,
        "context_table": context_table,
        "center": center,
        "context": context,
    }


def reference(center_table, context_table, center, context):
    # Embedding lookups (gathers)
    center_emb = jnp.take(center_table, center, axis=0)
    context_emb = jnp.take(context_table, context, axis=0)
    # Cosine-similarity-based probability, faithful to torch forward
    center_norm = jnp.sqrt(jnp.sum(center_emb * center_emb, axis=1, keepdims=True))
    context_norm = jnp.sqrt(jnp.sum(context_emb * context_emb, axis=1, keepdims=True))
    dot_product = jnp.sum(center_emb * context_emb, axis=1)
    norm_product = jnp.maximum(center_norm * context_norm, 1e-08).squeeze()
    similarity_score = dot_product / norm_product
    probability = (1 + similarity_score) / 2
    return probability

if __name__ == "__main__":
    import jax
    _d = setup_inputs()
    print(jax.jit(kernel)(*tuple(_d.values())))

</pallas_src>

<mosaic_0001>
#map = affine_map<(d0, d1) -> (0, 0)>
module attributes {stable_mosaic.version = 14 : i64} {
  func.func @_sc_gather(%arg0: i32, %arg1: i32, %arg2: memref<50000x128xf32, #tpu.memory_space<hbm>>, %arg3: memref<128x128xi32, #tpu.memory_space<hbm>>, %arg4: memref<16384x128xf32, #tpu.memory_space<hbm>>, %arg5: memref<4x128xi32, #tpu.memory_space<vmem>>, %arg6: memref<128x128xf32, #tpu.memory_space<vmem>>, %arg7: memref<128x128xf32, #tpu.memory_space<vmem>>, %arg8: memref<128x128xf32, #tpu.memory_space<vmem>>, %arg9: memref<!tpu.dma_semaphore, #tpu.memory_space<semaphore_mem>>, %arg10: memref<!tpu.dma_semaphore, #tpu.memory_space<semaphore_mem>>) attributes {dimension_semantics = [#tpu.dimension_semantics<core_parallel>, #tpu.dimension_semantics<subcore_parallel>], iteration_bounds = array<i64: 2, 16>, scalar_prefetch = 0 : i64, scratch_operands = 6 : i64, tpu.core_type = #tpu.core_type<sc_vector_subcore>, window_params = [{transform_indices = #map}, {transform_indices = #map}, {transform_indices = #map}]} {
    %mul3A = arith.constant 2 : i32
    %mul3A_0 = arith.muli %arg1, %mul3A : i32
    %add3A = arith.addi %mul3A_0, %arg0 : i32
    %mul3A_1 = arith.constant 4 : i32
    %mul3A_2 = arith.muli %add3A, %mul3A_1 : i32
    "tpu.region"() ({
      %run_scoped3A = tpu.sem_alloc : memref<!tpu.dma_semaphore, #tpu.memory_space<semaphore_mem>>
      %dma_start3A_99 = arith.constant 0 : i32
      %dma_start3A_100 = tpu.memref_slice %arg3[%mul3A_2, %dma_start3A_99] : memref<128x128xi32, #tpu.memory_space<hbm>> -> memref<4x128xi32, #tpu.memory_space<hbm>>
      %dma_start3A_101 = arith.constant 0 : i32
      %dma_start3A_102 = tpu.memref_slice %arg3[%mul3A_2, %dma_start3A_101] : memref<128x128xi32, #tpu.memory_space<hbm>> -> memref<4x128xi32, #tpu.memory_space<hbm>>
      tpu.enqueue_dma source(%dma_start3A_102 : memref<4x128xi32, #tpu.memory_space<hbm>>) target(%arg5 : memref<4x128xi32, #tpu.memory_space<vmem>>) target_semaphore(%run_scoped3A : memref<!tpu.dma_semaphore, #tpu.memory_space<semaphore_mem>>)
      %dma_wait3A_103 = arith.constant 0 : i32
      %dma_wait3A_104 = tpu.memref_slice %arg3[%mul3A_2, %dma_wait3A_103] : memref<128x128xi32, #tpu.memory_space<hbm>> -> memref<4x128xi32, #tpu.memory_space<hbm>>
      %dma_wait3A_105 = arith.constant 0 : i32
      %dma_wait3A_106 = tpu.memref_slice %arg3[%mul3A_2, %dma_wait3A_105] : memref<128x128xi32, #tpu.memory_space<hbm>> -> memref<4x128xi32, #tpu.memory_space<hbm>>
      tpu.wait_dma2 semaphore(%run_scoped3A : memref<!tpu.dma_semaphore, #tpu.memory_space<semaphore_mem>>) src(%dma_wait3A_106 : memref<4x128xi32, #tpu.memory_space<hbm>>) dst(%arg5 : memref<4x128xi32, #tpu.memory_space<vmem>>)
      tpu.yield
    }) : () -> ()
    %mul3A_3 = arith.constant 512 : i32
    %mul3A_4 = arith.muli %add3A, %mul3A_3 : i32
    %dma_start3A = arith.constant 0 : i32
    %dma_start3A_5 = arith.constant 0 : i32
    %dma_start3A_6 = tpu.memref_slice %arg5[%dma_start3A, %dma_start3A_5] : memref<4x128xi32, #tpu.memory_space<vmem>> -> memref<1x128xi32, #tpu.memory_space<vmem>>
    %dma_start3A_7 = tpu.memref_squeeze %dma_start3A_6 : memref<1x128xi32, #tpu.memory_space<vmem>> -> memref<128xi32, #tpu.memory_space<vmem>>
    %dma_start3A_8 = arith.constant 0 : i32
    %dma_start3A_9 = arith.constant 0 : i32
    %dma_start3A_10 = tpu.memref_slice %arg2[%dma_start3A_8, %dma_start3A_9] : memref<50000x128xf32, #tpu.memory_space<hbm>> -> memref<50000x128xf32, #tpu.memory_space<hbm>>
    tpu.enqueue_indirect_dma source(%dma_start3A_10 : memref<50000x128xf32, #tpu.memory_space<hbm>>) target(%arg6 : memref<128x128xf32, #tpu.memory_space<vmem>>) offsets(%dma_start3A_7 : memref<128xi32, #tpu.memory_space<vmem>>) semaphore(%arg9 : memref<!tpu.dma_semaphore, #tpu.memory_space<semaphore_mem>>)
    %dma_start3A_11 = arith.constant 1 : i32
    %dma_start3A_12 = arith.constant 0 : i32
    %dma_start3A_13 = tpu.memref_slice %arg5[%dma_start3A_11, %dma_start3A_12] : memref<4x128xi32, #tpu.memory_space<vmem>> -> memref<1x128xi32, #tpu.memory_space<vmem>>
    %dma_start3A_14 = tpu.memref_squeeze %dma_start3A_13 : memref<1x128xi32, #tpu.memory_space<vmem>> -> memref<128xi32, #tpu.memory_space<vmem>>
    %dma_start3A_15 = arith.constant 0 : i32
    %dma_start3A_16 = arith.constant 0 : i32
    %dma_start3A_17 = tpu.memref_slice %arg2[%dma_start3A_15, %dma_start3A_16] : memref<50000x128xf32, #tpu.memory_space<hbm>> -> memref<50000x128xf32, #tpu.memory_space<hbm>>
    tpu.enqueue_indirect_dma source(%dma_start3A_17 : memref<50000x128xf32, #tpu.memory_space<hbm>>) target(%arg7 : memref<128x128xf32, #tpu.memory_space<vmem>>) offsets(%dma_start3A_14 : memref<128xi32, #tpu.memory_space<vmem>>) semaphore(%arg9 : memref<!tpu.dma_semaphore, #tpu.memory_space<semaphore_mem>>)
    %dma_start3A_18 = arith.constant 2 : i32
    %dma_start3A_19 = arith.constant 0 : i32
    %dma_start3A_20 = tpu.memref_slice %arg5[%dma_start3A_18, %dma_start3A_19] : memref<4x128xi32, #tpu.memory_space<vmem>> -> memref<1x128xi32, #tpu.memory_space<vmem>>
    %dma_start3A_21 = tpu.memref_squeeze %dma_start3A_20 : memref<1x128xi32, #tpu.memory_space<vmem>> -> memref<128xi32, #tpu.memory_space<vmem>>
    %dma_start3A_22 = arith.constant 0 : i32
    %dma_start3A_23 = arith.constant 0 : i32
    %dma_start3A_24 = tpu.memref_slice %arg2[%dma_start3A_22, %dma_start3A_23] : memref<50000x128xf32, #tpu.memory_space<hbm>> -> memref<50000x128xf32, #tpu.memory_space<hbm>>
    tpu.enqueue_indirect_dma source(%dma_start3A_24 : memref<50000x128xf32, #tpu.memory_space<hbm>>) target(%arg8 : memref<128x128xf32, #tpu.memory_space<vmem>>) offsets(%dma_start3A_21 : memref<128xi32, #tpu.memory_space<vmem>>) semaphore(%arg9 : memref<!tpu.dma_semaphore, #tpu.memory_space<semaphore_mem>>)
    %add3A_25 = arith.constant 0 : i32
    %add3A_26 = arith.addi %mul3A_4, %add3A_25 : i32
    %dma_wait3A = arith.constant 0 : i32
    %dma_wait3A_27 = arith.constant 0 : i32
    %dma_wait3A_28 = tpu.memref_slice %arg5[%dma_wait3A, %dma_wait3A_27] : memref<4x128xi32, #tpu.memory_space<vmem>> -> memref<1x128xi32, #tpu.memory_space<vmem>>
    %dma_wait3A_29 = tpu.memref_squeeze %dma_wait3A_28 : memref<1x128xi32, #tpu.memory_space<vmem>> -> memref<128xi32, #tpu.memory_space<vmem>>
    %dma_wait3A_30 = arith.constant 0 : i32
    %dma_wait3A_31 = arith.constant 0 : i32
    %dma_wait3A_32 = tpu.memref_slice %arg2[%dma_wait3A_30, %dma_wait3A_31] : memref<50000x128xf32, #tpu.memory_space<hbm>> -> memref<50000x128xf32, #tpu.memory_space<hbm>>
    tpu.wait_indirect_dma semaphore(%arg9 : memref<!tpu.dma_semaphore, #tpu.memory_space<semaphore_mem>>) src(%dma_wait3A_32 : memref<50000x128xf32, #tpu.memory_space<hbm>>) dst(%arg6 : memref<128x128xf32, #tpu.memory_space<vmem>>)
    %dma_start3A_33 = arith.constant 0 : i32
    %dma_start3A_34 = tpu.memref_slice %arg4[%add3A_26, %dma_start3A_33] : memref<16384x128xf32, #tpu.memory_space<hbm>> -> memref<128x128xf32, #tpu.memory_space<hbm>>
    %dma_start3A_35 = arith.constant 0 : i32
    %dma_start3A_36 = tpu.memref_slice %arg4[%add3A_26, %dma_start3A_35] : memref<16384x128xf32, #tpu.memory_space<hbm>> -> memref<128x128xf32, #tpu.memory_space<hbm>>
    tpu.enqueue_dma source(%arg6 : memref<128x128xf32, #tpu.memory_space<vmem>>) target(%dma_start3A_36 : memref<128x128xf32, #tpu.memory_space<hbm>>) target_semaphore(%arg10 : memref<!tpu.dma_semaphore, #tpu.memory_space<semaphore_mem>>)
    %dma_wait3A_37 = arith.constant 0 : i32
    %dma_wait3A_38 = tpu.memref_slice %arg4[%add3A_26, %dma_wait3A_37] : memref<16384x128xf32, #tpu.memory_space<hbm>> -> memref<128x128xf32, #tpu.memory_space<hbm>>
    %dma_wait3A_39 = arith.constant 0 : i32
    %dma_wait3A_40 = tpu.memref_slice %arg4[%add3A_26, %dma_wait3A_39] : memref<16384x128xf32, #tpu.memory_space<hbm>> -> memref<128x128xf32, #tpu.memory_space<hbm>>
    tpu.wait_dma2 semaphore(%arg10 : memref<!tpu.dma_semaphore, #tpu.memory_space<semaphore_mem>>) src(%arg6 : memref<128x128xf32, #tpu.memory_space<vmem>>) dst(%dma_wait3A_40 : memref<128x128xf32, #tpu.memory_space<hbm>>)
    %dma_start3A_41 = arith.constant 3 : i32
    %dma_start3A_42 = arith.constant 0 : i32
    %dma_start3A_43 = tpu.memref_slice %arg5[%dma_start3A_41, %dma_start3A_42] : memref<4x128xi32, #tpu.memory_space<vmem>> -> memref<1x128xi32, #tpu.memory_space<vmem>>
    %dma_start3A_44 = tpu.memref_squeeze %dma_start3A_43 : memref<1x128xi32, #tpu.memory_space<vmem>> -> memref<128xi32, #tpu.memory_space<vmem>>
    %dma_start3A_45 = arith.constant 0 : i32
    %dma_start3A_46 = arith.constant 0 : i32
    %dma_start3A_47 = tpu.memref_slice %arg2[%dma_start3A_45, %dma_start3A_46] : memref<50000x128xf32, #tpu.memory_space<hbm>> -> memref<50000x128xf32, #tpu.memory_space<hbm>>
    tpu.enqueue_indirect_dma source(%dma_start3A_47 : memref<50000x128xf32, #tpu.memory_space<hbm>>) target(%arg6 : memref<128x128xf32, #tpu.memory_space<vmem>>) offsets(%dma_start3A_44 : memref<128xi32, #tpu.memory_space<vmem>>) semaphore(%arg9 : memref<!tpu.dma_semaphore, #tpu.memory_space<semaphore_mem>>)
    %add3A_48 = arith.constant 128 : i32
    %add3A_49 = arith.addi %mul3A_4, %add3A_48 : i32
    %dma_wait3A_50 = arith.constant 1 : i32
    %dma_wait3A_51 = arith.constant 0 : i32
    %dma_wait3A_52 = tpu.memref_slice %arg5[%dma_wait3A_50, %dma_wait3A_51] : memref<4x128xi32, #tpu.memory_space<vmem>> -> memref<1x128xi32, #tpu.memory_space<vmem>>
    %dma_wait3A_53 = tpu.memref_squeeze %dma_wait3A_52 : memref<1x128xi32, #tpu.memory_space<vmem>> -> memref<128xi32, #tpu.memory_space<vmem>>
    %dma_wait3A_54 = arith.constant 0 : i32
    %dma_wait3A_55 = arith.constant 0 : i32
    %dma_wait3A_56 = tpu.memref_slice %arg2[%dma_wait3A_54, %dma_wait3A_55] : memref<50000x128xf32, #tpu.memory_space<hbm>> -> memref<50000x128xf32, #tpu.memory_space<hbm>>
    tpu.wait_indirect_dma semaphore(%arg9 : memref<!tpu.dma_semaphore, #tpu.memory_space<semaphore_mem>>) src(%dma_wait3A_56 : memref<50000x128xf32, #tpu.memory_space<hbm>>) dst(%arg7 : memref<128x128xf32, #tpu.memory_space<vmem>>)
    %dma_start3A_57 = arith.constant 0 : i32
    %dma_start3A_58 = tpu.memref_slice %arg4[%add3A_49, %dma_start3A_57] : memref<16384x128xf32, #tpu.memory_space<hbm>> -> memref<128x128xf32, #tpu.memory_space<hbm>>
    %dma_start3A_59 = arith.constant 0 : i32
    %dma_start3A_60 = tpu.memref_slice %arg4[%add3A_49, %dma_start3A_59] : memref<16384x128xf32, #tpu.memory_space<hbm>> -> memref<128x128xf32, #tpu.memory_space<hbm>>
    tpu.enqueue_dma source(%arg7 : memref<128x128xf32, #tpu.memory_space<vmem>>) target(%dma_start3A_60 : memref<128x128xf32, #tpu.memory_space<hbm>>) target_semaphore(%arg10 : memref<!tpu.dma_semaphore, #tpu.memory_space<semaphore_mem>>)
    %add3A_61 = arith.constant 256 : i32
    %add3A_62 = arith.addi %mul3A_4, %add3A_61 : i32
    %dma_wait3A_63 = arith.constant 2 : i32
    %dma_wait3A_64 = arith.constant 0 : i32
    %dma_wait3A_65 = tpu.memref_slice %arg5[%dma_wait3A_63, %dma_wait3A_64] : memref<4x128xi32, #tpu.memory_space<vmem>> -> memref<1x128xi32, #tpu.memory_space<vmem>>
    %dma_wait3A_66 = tpu.memref_squeeze %dma_wait3A_65 : memref<1x128xi32, #tpu.memory_space<vmem>> -> memref<128xi32, #tpu.memory_space<vmem>>
    %dma_wait3A_67 = arith.constant 0 : i32
    %dma_wait3A_68 = arith.constant 0 : i32
    %dma_wait3A_69 = tpu.memref_slice %arg2[%dma_wait3A_67, %dma_wait3A_68] : memref<50000x128xf32, #tpu.memory_space<hbm>> -> memref<50000x128xf32, #tpu.memory_space<hbm>>
    tpu.wait_indirect_dma semaphore(%arg9 : memref<!tpu.dma_semaphore, #tpu.memory_space<semaphore_mem>>) src(%dma_wait3A_69 : memref<50000x128xf32, #tpu.memory_space<hbm>>) dst(%arg8 : memref<128x128xf32, #tpu.memory_space<vmem>>)
    %dma_start3A_70 = arith.constant 0 : i32
    %dma_start3A_71 = tpu.memref_slice %arg4[%add3A_62, %dma_start3A_70] : memref<16384x128xf32, #tpu.memory_space<hbm>> -> memref<128x128xf32, #tpu.memory_space<hbm>>
    %dma_start3A_72 = arith.constant 0 : i32
    %dma_start3A_73 = tpu.memref_slice %arg4[%add3A_62, %dma_start3A_72] : memref<16384x128xf32, #tpu.memory_space<hbm>> -> memref<128x128xf32, #tpu.memory_space<hbm>>
    tpu.enqueue_dma source(%arg8 : memref<128x128xf32, #tpu.memory_space<vmem>>) target(%dma_start3A_73 : memref<128x128xf32, #tpu.memory_space<hbm>>) target_semaphore(%arg10 : memref<!tpu.dma_semaphore, #tpu.memory_space<semaphore_mem>>)
    %add3A_74 = arith.constant 384 : i32
    %add3A_75 = arith.addi %mul3A_4, %add3A_74 : i32
    %dma_wait3A_76 = arith.constant 3 : i32
    %dma_wait3A_77 = arith.constant 0 : i32
    %dma_wait3A_78 = tpu.memref_slice %arg5[%dma_wait3A_76, %dma_wait3A_77] : memref<4x128xi32, #tpu.memory_space<vmem>> -> memref<1x128xi32, #tpu.memory_space<vmem>>
    %dma_wait3A_79 = tpu.memref_squeeze %dma_wait3A_78 : memref<1x128xi32, #tpu.memory_space<vmem>> -> memref<128xi32, #tpu.memory_space<vmem>>
    %dma_wait3A_80 = arith.constant 0 : i32
    %dma_wait3A_81 = arith.constant 0 : i32
    %dma_wait3A_82 = tpu.memref_slice %arg2[%dma_wait3A_80, %dma_wait3A_81] : memref<50000x128xf32, #tpu.memory_space<hbm>> -> memref<50000x128xf32, #tpu.memory_space<hbm>>
    tpu.wait_indirect_dma semaphore(%arg9 : memref<!tpu.dma_semaphore, #tpu.memory_space<semaphore_mem>>) src(%dma_wait3A_82 : memref<50000x128xf32, #tpu.memory_space<hbm>>) dst(%arg6 : memref<128x128xf32, #tpu.memory_space<vmem>>)
    %dma_start3A_83 = arith.constant 0 : i32
    %dma_start3A_84 = tpu.memref_slice %arg4[%add3A_75, %dma_start3A_83] : memref<16384x128xf32, #tpu.memory_space<hbm>> -> memref<128x128xf32, #tpu.memory_space<hbm>>
    %dma_start3A_85 = arith.constant 0 : i32
    %dma_start3A_86 = tpu.memref_slice %arg4[%add3A_75, %dma_start3A_85] : memref<16384x128xf32, #tpu.memory_space<hbm>> -> memref<128x128xf32, #tpu.memory_space<hbm>>
    tpu.enqueue_dma source(%arg6 : memref<128x128xf32, #tpu.memory_space<vmem>>) target(%dma_start3A_86 : memref<128x128xf32, #tpu.memory_space<hbm>>) target_semaphore(%arg10 : memref<!tpu.dma_semaphore, #tpu.memory_space<semaphore_mem>>)
    %dma_wait3A_87 = arith.constant 0 : i32
    %dma_wait3A_88 = tpu.memref_slice %arg4[%add3A_49, %dma_wait3A_87] : memref<16384x128xf32, #tpu.memory_space<hbm>> -> memref<128x128xf32, #tpu.memory_space<hbm>>
    %dma_wait3A_89 = arith.constant 0 : i32
    %dma_wait3A_90 = tpu.memref_slice %arg4[%add3A_49, %dma_wait3A_89] : memref<16384x128xf32, #tpu.memory_space<hbm>> -> memref<128x128xf32, #tpu.memory_space<hbm>>
    tpu.wait_dma2 semaphore(%arg10 : memref<!tpu.dma_semaphore, #tpu.memory_space<semaphore_mem>>) src(%arg7 : memref<128x128xf32, #tpu.memory_space<vmem>>) dst(%dma_wait3A_90 : memref<128x128xf32, #tpu.memory_space<hbm>>)
    %dma_wait3A_91 = arith.constant 0 : i32
    %dma_wait3A_92 = tpu.memref_slice %arg4[%add3A_62, %dma_wait3A_91] : memref<16384x128xf32, #tpu.memory_space<hbm>> -> memref<128x128xf32, #tpu.memory_space<hbm>>
    %dma_wait3A_93 = arith.constant 0 : i32
    %dma_wait3A_94 = tpu.memref_slice %arg4[%add3A_62, %dma_wait3A_93] : memref<16384x128xf32, #tpu.memory_space<hbm>> -> memref<128x128xf32, #tpu.memory_space<hbm>>
    tpu.wait_dma2 semaphore(%arg10 : memref<!tpu.dma_semaphore, #tpu.memory_space<semaphore_mem>>) src(%arg8 : memref<128x128xf32, #tpu.memory_space<vmem>>) dst(%dma_wait3A_94 : memref<128x128xf32, #tpu.memory_space<hbm>>)
    %dma_wait3A_95 = arith.constant 0 : i32
    %dma_wait3A_96 = tpu.memref_slice %arg4[%add3A_75, %dma_wait3A_95] : memref<16384x128xf32, #tpu.memory_space<hbm>> -> memref<128x128xf32, #tpu.memory_space<hbm>>
    %dma_wait3A_97 = arith.constant 0 : i32
    %dma_wait3A_98 = tpu.memref_slice %arg4[%add3A_75, %dma_wait3A_97] : memref<16384x128xf32, #tpu.memory_space<hbm>> -> memref<128x128xf32, #tpu.memory_space<hbm>>
    tpu.wait_dma2 semaphore(%arg10 : memref<!tpu.dma_semaphore, #tpu.memory_space<semaphore_mem>>) src(%arg6 : memref<128x128xf32, #tpu.memory_space<vmem>>) dst(%dma_wait3A_98 : memref<128x128xf32, #tpu.memory_space<hbm>>)
    return
  }
}

#map = affine_map<(d0, d1) -> (0, 0)>
module attributes {stable_mosaic.version = 14 : i64} {
  func.func @_sc_gather(%arg0: i32, %arg1: i32, %arg2: memref<50000x128xf32, #tpu.memory_space<hbm>>, %arg3: memref<128x128xi32, #tpu.memory_space<hbm>>, %arg4: memref<16384x128xf32, #tpu.memory_space<hbm>>, %arg5: memref<4x128xi32, #tpu.memory_space<vmem>>, %arg6: memref<128x128xf32, #tpu.memory_space<vmem>>, %arg7: memref<128x128xf32, #tpu.memory_space<vmem>>, %arg8: memref<128x128xf32, #tpu.memory_space<vmem>>, %arg9: memref<!tpu.dma_semaphore, #tpu.memory_space<semaphore_mem>>, %arg10: memref<!tpu.dma_semaphore, #tpu.memory_space<semaphore_mem>>) attributes {dimension_semantics = [#tpu.dimension_semantics<core_parallel>, #tpu.dimension_semantics<subcore_parallel>], iteration_bounds = array<i64: 2, 16>, scalar_prefetch = 0 : i64, scratch_operands = 6 : i64, tpu.core_type = #tpu.core_type<sc_vector_subcore>, window_params = [{transform_indices = #map}, {transform_indices = #map}, {transform_indices = #map}]} {
    %mul3A = arith.constant 2 : i32
    %mul3A_0 = arith.muli %arg1, %mul3A : i32
    %add3A = arith.addi %mul3A_0, %arg0 : i32
    %mul3A_1 = arith.constant 4 : i32
    %mul3A_2 = arith.muli %add3A, %mul3A_1 : i32
    "tpu.region"() ({
      %run_scoped3A = tpu.sem_alloc : memref<!tpu.dma_semaphore, #tpu.memory_space<semaphore_mem>>
      %dma_start3A_99 = arith.constant 0 : i32
      %dma_start3A_100 = tpu.memref_slice %arg3[%mul3A_2, %dma_start3A_99] : memref<128x128xi32, #tpu.memory_space<hbm>> -> memref<4x128xi32, #tpu.memory_space<hbm>>
      %dma_start3A_101 = arith.constant 0 : i32
      %dma_start3A_102 = tpu.memref_slice %arg3[%mul3A_2, %dma_start3A_101] : memref<128x128xi32, #tpu.memory_space<hbm>> -> memref<4x128xi32, #tpu.memory_space<hbm>>
      tpu.enqueue_dma source(%dma_start3A_102 : memref<4x128xi32, #tpu.memory_space<hbm>>) target(%arg5 : memref<4x128xi32, #tpu.memory_space<vmem>>) target_semaphore(%run_scoped3A : memref<!tpu.dma_semaphore, #tpu.memory_space<semaphore_mem>>)
      %dma_wait3A_103 = arith.constant 0 : i32
      %dma_wait3A_104 = tpu.memref_slice %arg3[%mul3A_2, %dma_wait3A_103] : memref<128x128xi32, #tpu.memory_space<hbm>> -> memref<4x128xi32, #tpu.memory_space<hbm>>
      %dma_wait3A_105 = arith.constant 0 : i32
      %dma_wait3A_106 = tpu.memref_slice %arg3[%mul3A_2, %dma_wait3A_105] : memref<128x128xi32, #tpu.memory_space<hbm>> -> memref<4x128xi32, #tpu.memory_space<hbm>>
      tpu.wait_dma2 semaphore(%run_scoped3A : memref<!tpu.dma_semaphore, #tpu.memory_space<semaphore_mem>>) src(%dma_wait3A_106 : memref<4x128xi32, #tpu.memory_space<hbm>>) dst(%arg5 : memref<4x128xi32, #tpu.memory_space<vmem>>)
      tpu.yield
    }) : () -> ()
    %mul3A_3 = arith.constant 512 : i32
    %mul3A_4 = arith.muli %add3A, %mul3A_3 : i32
    %dma_start3A = arith.constant 0 : i32
    %dma_start3A_5 = arith.constant 0 : i32
    %dma_start3A_6 = tpu.memref_slice %arg5[%dma_start3A, %dma_start3A_5] : memref<4x128xi32, #tpu.memory_space<vmem>> -> memref<1x128xi32, #tpu.memory_space<vmem>>
    %dma_start3A_7 = tpu.memref_squeeze %dma_start3A_6 : memref<1x128xi32, #tpu.memory_space<vmem>> -> memref<128xi32, #tpu.memory_space<vmem>>
    %dma_start3A_8 = arith.constant 0 : i32
    %dma_start3A_9 = arith.constant 0 : i32
    %dma_start3A_10 = tpu.memref_slice %arg2[%dma_start3A_8, %dma_start3A_9] : memref<50000x128xf32, #tpu.memory_space<hbm>> -> memref<50000x128xf32, #tpu.memory_space<hbm>>
    tpu.enqueue_indirect_dma source(%dma_start3A_10 : memref<50000x128xf32, #tpu.memory_space<hbm>>) target(%arg6 : memref<128x128xf32, #tpu.memory_space<vmem>>) offsets(%dma_start3A_7 : memref<128xi32, #tpu.memory_space<vmem>>) semaphore(%arg9 : memref<!tpu.dma_semaphore, #tpu.memory_space<semaphore_mem>>)
    %dma_start3A_11 = arith.constant 1 : i32
    %dma_start3A_12 = arith.constant 0 : i32
    %dma_start3A_13 = tpu.memref_slice %arg5[%dma_start3A_11, %dma_start3A_12] : memref<4x128xi32, #tpu.memory_space<vmem>> -> memref<1x128xi32, #tpu.memory_space<vmem>>
    %dma_start3A_14 = tpu.memref_squeeze %dma_start3A_13 : memref<1x128xi32, #tpu.memory_space<vmem>> -> memref<128xi32, #tpu.memory_space<vmem>>
    %dma_start3A_15 = arith.constant 0 : i32
    %dma_start3A_16 = arith.constant 0 : i32
    %dma_start3A_17 = tpu.memref_slice %arg2[%dma_start3A_15, %dma_start3A_16] : memref<50000x128xf32, #tpu.memory_space<hbm>> -> memref<50000x128xf32, #tpu.memory_space<hbm>>
    tpu.enqueue_indirect_dma source(%dma_start3A_17 : memref<50000x128xf32, #tpu.memory_space<hbm>>) target(%arg7 : memref<128x128xf32, #tpu.memory_space<vmem>>) offsets(%dma_start3A_14 : memref<128xi32, #tpu.memory_space<vmem>>) semaphore(%arg9 : memref<!tpu.dma_semaphore, #tpu.memory_space<semaphore_mem>>)
    %dma_start3A_18 = arith.constant 2 : i32
    %dma_start3A_19 = arith.constant 0 : i32
    %dma_start3A_20 = tpu.memref_slice %arg5[%dma_start3A_18, %dma_start3A_19] : memref<4x128xi32, #tpu.memory_space<vmem>> -> memref<1x128xi32, #tpu.memory_space<vmem>>
    %dma_start3A_21 = tpu.memref_squeeze %dma_start3A_20 : memref<1x128xi32, #tpu.memory_space<vmem>> -> memref<128xi32, #tpu.memory_space<vmem>>
    %dma_start3A_22 = arith.constant 0 : i32
    %dma_start3A_23 = arith.constant 0 : i32
    %dma_start3A_24 = tpu.memref_slice %arg2[%dma_start3A_22, %dma_start3A_23] : memref<50000x128xf32, #tpu.memory_space<hbm>> -> memref<50000x128xf32, #tpu.memory_space<hbm>>
    tpu.enqueue_indirect_dma source(%dma_start3A_24 : memref<50000x128xf32, #tpu.memory_space<hbm>>) target(%arg8 : memref<128x128xf32, #tpu.memory_space<vmem>>) offsets(%dma_start3A_21 : memref<128xi32, #tpu.memory_space<vmem>>) semaphore(%arg9 : memref<!tpu.dma_semaphore, #tpu.memory_space<semaphore_mem>>)
    %add3A_25 = arith.constant 0 : i32
    %add3A_26 = arith.addi %mul3A_4, %add3A_25 : i32
    %dma_wait3A = arith.constant 0 : i32
    %dma_wait3A_27 = arith.constant 0 : i32
    %dma_wait3A_28 = tpu.memref_slice %arg5[%dma_wait3A, %dma_wait3A_27] : memref<4x128xi32, #tpu.memory_space<vmem>> -> memref<1x128xi32, #tpu.memory_space<vmem>>
    %dma_wait3A_29 = tpu.memref_squeeze %dma_wait3A_28 : memref<1x128xi32, #tpu.memory_space<vmem>> -> memref<128xi32, #tpu.memory_space<vmem>>
    %dma_wait3A_30 = arith.constant 0 : i32
    %dma_wait3A_31 = arith.constant 0 : i32
    %dma_wait3A_32 = tpu.memref_slice %arg2[%dma_wait3A_30, %dma_wait3A_31] : memref<50000x128xf32, #tpu.memory_space<hbm>> -> memref<50000x128xf32, #tpu.memory_space<hbm>>
    tpu.wait_indirect_dma semaphore(%arg9 : memref<!tpu.dma_semaphore, #tpu.memory_space<semaphore_mem>>) src(%dma_wait3A_32 : memref<50000x128xf32, #tpu.memory_space<hbm>>) dst(%arg6 : memref<128x128xf32, #tpu.memory_space<vmem>>)
    %dma_start3A_33 = arith.constant 0 : i32
    %dma_start3A_34 = tpu.memref_slice %arg4[%add3A_26, %dma_start3A_33] : memref<16384x128xf32, #tpu.memory_space<hbm>> -> memref<128x128xf32, #tpu.memory_space<hbm>>
    %dma_start3A_35 = arith.constant 0 : i32
    %dma_start3A_36 = tpu.memref_slice %arg4[%add3A_26, %dma_start3A_35] : memref<16384x128xf32, #tpu.memory_space<hbm>> -> memref<128x128xf32, #tpu.memory_space<hbm>>
    tpu.enqueue_dma source(%arg6 : memref<128x128xf32, #tpu.memory_space<vmem>>) target(%dma_start3A_36 : memref<128x128xf32, #tpu.memory_space<hbm>>) target_semaphore(%arg10 : memref<!tpu.dma_semaphore, #tpu.memory_space<semaphore_mem>>)
    %dma_wait3A_37 = arith.constant 0 : i32
    %dma_wait3A_38 = tpu.memref_slice %arg4[%add3A_26, %dma_wait3A_37] : memref<16384x128xf32, #tpu.memory_space<hbm>> -> memref<128x128xf32, #tpu.memory_space<hbm>>
    %dma_wait3A_39 = arith.constant 0 : i32
    %dma_wait3A_40 = tpu.memref_slice %arg4[%add3A_26, %dma_wait3A_39] : memref<16384x128xf32, #tpu.memory_space<hbm>> -> memref<128x128xf32, #tpu.memory_space<hbm>>
    tpu.wait_dma2 semaphore(%arg10 : memref<!tpu.dma_semaphore, #tpu.memory_space<semaphore_mem>>) src(%arg6 : memref<128x128xf32, #tpu.memory_space<vmem>>) dst(%dma_wait3A_40 : memref<128x128xf32, #tpu.memory_space<hbm>>)
    %dma_start3A_41 = arith.constant 3 : i32
    %dma_start3A_42 = arith.constant 0 : i32
    %dma_start3A_43 = tpu.memref_slice %arg5[%dma_start3A_41, %dma_start3A_42] : memref<4x128xi32, #tpu.memory_space<vmem>> -> memref<1x128xi32, #tpu.memory_space<vmem>>
    %dma_start3A_44 = tpu.memref_squeeze %dma_start3A_43 : memref<1x128xi32, #tpu.memory_space<vmem>> -> memref<128xi32, #tpu.memory_space<vmem>>
    %dma_start3A_45 = arith.constant 0 : i32
    %dma_start3A_46 = arith.constant 0 : i32
    %dma_start3A_47 = tpu.memref_slice %arg2[%dma_start3A_45, %dma_start3A_46] : memref<50000x128xf32, #tpu.memory_space<hbm>> -> memref<50000x128xf32, #tpu.memory_space<hbm>>
    tpu.enqueue_indirect_dma source(%dma_start3A_47 : memref<50000x128xf32, #tpu.memory_space<hbm>>) target(%arg6 : memref<128x128xf32, #tpu.memory_space<vmem>>) offsets(%dma_start3A_44 : memref<128xi32, #tpu.memory_space<vmem>>) semaphore(%arg9 : memref<!tpu.dma_semaphore, #tpu.memory_space<semaphore_mem>>)
    %add3A_48 = arith.constant 128 : i32
    %add3A_49 = arith.addi %mul3A_4, %add3A_48 : i32
    %dma_wait3A_50 = arith.constant 1 : i32
    %dma_wait3A_51 = arith.constant 0 : i32
    %dma_wait3A_52 = tpu.memref_slice %arg5[%dma_wait3A_50, %dma_wait3A_51] : memref<4x128xi32, #tpu.memory_space<vmem>> -> memref<1x128xi32, #tpu.memory_space<vmem>>
    %dma_wait3A_53 = tpu.memref_squeeze %dma_wait3A_52 : memref<1x128xi32, #tpu.memory_space<vmem>> -> memref<128xi32, #tpu.memory_space<vmem>>
    %dma_wait3A_54 = arith.constant 0 : i32
    %dma_wait3A_55 = arith.constant 0 : i32
    %dma_wait3A_56 = tpu.memref_slice %arg2[%dma_wait3A_54, %dma_wait3A_55] : memref<50000x128xf32, #tpu.memory_space<hbm>> -> memref<50000x128xf32, #tpu.memory_space<hbm>>
    tpu.wait_indirect_dma semaphore(%arg9 : memref<!tpu.dma_semaphore, #tpu.memory_space<semaphore_mem>>) src(%dma_wait3A_56 : memref<50000x128xf32, #tpu.memory_space<hbm>>) dst(%arg7 : memref<128x128xf32, #tpu.memory_space<vmem>>)
    %dma_start3A_57 = arith.constant 0 : i32
    %dma_start3A_58 = tpu.memref_slice %arg4[%add3A_49, %dma_start3A_57] : memref<16384x128xf32, #tpu.memory_space<hbm>> -> memref<128x128xf32, #tpu.memory_space<hbm>>
    %dma_start3A_59 = arith.constant 0 : i32
    %dma_start3A_60 = tpu.memref_slice %arg4[%add3A_49, %dma_start3A_59] : memref<16384x128xf32, #tpu.memory_space<hbm>> -> memref<128x128xf32, #tpu.memory_space<hbm>>
    tpu.enqueue_dma source(%arg7 : memref<128x128xf32, #tpu.memory_space<vmem>>) target(%dma_start3A_60 : memref<128x128xf32, #tpu.memory_space<hbm>>) target_semaphore(%arg10 : memref<!tpu.dma_semaphore, #tpu.memory_space<semaphore_mem>>)
    %add3A_61 = arith.constant 256 : i32
    %add3A_62 = arith.addi %mul3A_4, %add3A_61 : i32
    %dma_wait3A_63 = arith.constant 2 : i32
    %dma_wait3A_64 = arith.constant 0 : i32
    %dma_wait3A_65 = tpu.memref_slice %arg5[%dma_wait3A_63, %dma_wait3A_64] : memref<4x128xi32, #tpu.memory_space<vmem>> -> memref<1x128xi32, #tpu.memory_space<vmem>>
    %dma_wait3A_66 = tpu.memref_squeeze %dma_wait3A_65 : memref<1x128xi32, #tpu.memory_space<vmem>> -> memref<128xi32, #tpu.memory_space<vmem>>
    %dma_wait3A_67 = arith.constant 0 : i32
    %dma_wait3A_68 = arith.constant 0 : i32
    %dma_wait3A_69 = tpu.memref_slice %arg2[%dma_wait3A_67, %dma_wait3A_68] : memref<50000x128xf32, #tpu.memory_space<hbm>> -> memref<50000x128xf32, #tpu.memory_space<hbm>>
    tpu.wait_indirect_dma semaphore(%arg9 : memref<!tpu.dma_semaphore, #tpu.memory_space<semaphore_mem>>) src(%dma_wait3A_69 : memref<50000x128xf32, #tpu.memory_space<hbm>>) dst(%arg8 : memref<128x128xf32, #tpu.memory_space<vmem>>)
    %dma_start3A_70 = arith.constant 0 : i32
    %dma_start3A_71 = tpu.memref_slice %arg4[%add3A_62, %dma_start3A_70] : memref<16384x128xf32, #tpu.memory_space<hbm>> -> memref<128x128xf32, #tpu.memory_space<hbm>>
    %dma_start3A_72 = arith.constant 0 : i32
    %dma_start3A_73 = tpu.memref_slice %arg4[%add3A_62, %dma_start3A_72] : memref<16384x128xf32, #tpu.memory_space<hbm>> -> memref<128x128xf32, #tpu.memory_space<hbm>>
    tpu.enqueue_dma source(%arg8 : memref<128x128xf32, #tpu.memory_space<vmem>>) target(%dma_start3A_73 : memref<128x128xf32, #tpu.memory_space<hbm>>) target_semaphore(%arg10 : memref<!tpu.dma_semaphore, #tpu.memory_space<semaphore_mem>>)
    %add3A_74 = arith.constant 384 : i32
    %add3A_75 = arith.addi %mul3A_4, %add3A_74 : i32
    %dma_wait3A_76 = arith.constant 3 : i32
    %dma_wait3A_77 = arith.constant 0 : i32
    %dma_wait3A_78 = tpu.memref_slice %arg5[%dma_wait3A_76, %dma_wait3A_77] : memref<4x128xi32, #tpu.memory_space<vmem>> -> memref<1x128xi32, #tpu.memory_space<vmem>>
    %dma_wait3A_79 = tpu.memref_squeeze %dma_wait3A_78 : memref<1x128xi32, #tpu.memory_space<vmem>> -> memref<128xi32, #tpu.memory_space<vmem>>
    %dma_wait3A_80 = arith.constant 0 : i32
    %dma_wait3A_81 = arith.constant 0 : i32
    %dma_wait3A_82 = tpu.memref_slice %arg2[%dma_wait3A_80, %dma_wait3A_81] : memref<50000x128xf32, #tpu.memory_space<hbm>> -> memref<50000x128xf32, #tpu.memory_space<hbm>>
    tpu.wait_indirect_dma semaphore(%arg9 : memref<!tpu.dma_semaphore, #tpu.memory_space<semaphore_mem>>) src(%dma_wait3A_82 : memref<50000x128xf32, #tpu.memory_space<hbm>>) dst(%arg6 : memref<128x128xf32, #tpu.memory_space<vmem>>)
    %dma_start3A_83 = arith.constant 0 : i32
    %dma_start3A_84 = tpu.memref_slice %arg4[%add3A_75, %dma_start3A_83] : memref<16384x128xf32, #tpu.memory_space<hbm>> -> memref<128x128xf32, #tpu.memory_space<hbm>>
    %dma_start3A_85 = arith.constant 0 : i32
    %dma_start3A_86 = tpu.memref_slice %arg4[%add3A_75, %dma_start3A_85] : memref<16384x128xf32, #tpu.memory_space<hbm>> -> memref<128x128xf32, #tpu.memory_space<hbm>>
    tpu.enqueue_dma source(%arg6 : memref<128x128xf32, #tpu.memory_space<vmem>>) target(%dma_start3A_86 : memref<128x128xf32, #tpu.memory_space<hbm>>) target_semaphore(%arg10 : memref<!tpu.dma_semaphore, #tpu.memory_space<semaphore_mem>>)
    %dma_wait3A_87 = arith.constant 0 : i32
    %dma_wait3A_88 = tpu.memref_slice %arg4[%add3A_49, %dma_wait3A_87] : memref<16384x128xf32, #tpu.memory_space<hbm>> -> memref<128x128xf32, #tpu.memory_space<hbm>>
    %dma_wait3A_89 = arith.constant 0 : i32
    %dma_wait3A_90 = tpu.memref_slice %arg4[%add3A_49, %dma_wait3A_89] : memref<16384x128xf32, #tpu.memory_space<hbm>> -> memref<128x128xf32, #tpu.memory_space<hbm>>
    tpu.wait_dma2 semaphore(%arg10 : memref<!tpu.dma_semaphore, #tpu.memory_space<semaphore_mem>>) src(%arg7 : memref<128x128xf32, #tpu.memory_space<vmem>>) dst(%dma_wait3A_90 : memref<128x128xf32, #tpu.memory_space<hbm>>)
    %dma_wait3A_91 = arith.constant 0 : i32
    %dma_wait3A_92 = tpu.memref_slice %arg4[%add3A_62, %dma_wait3A_91] : memref<16384x128xf32, #tpu.memory_space<hbm>> -> memref<128x128xf32, #tpu.memory_space<hbm>>
    %dma_wait3A_93 = arith.constant 0 : i32
    %dma_wait3A_94 = tpu.memref_slice %arg4[%add3A_62, %dma_wait3A_93] : memref<16384x128xf32, #tpu.memory_space<hbm>> -> memref<128x128xf32, #tpu.memory_space<hbm>>
    tpu.wait_dma2 semaphore(%arg10 : memref<!tpu.dma_semaphore, #tpu.memory_space<semaphore_mem>>) src(%arg8 : memref<128x128xf32, #tpu.memory_space<vmem>>) dst(%dma_wait3A_94 : memref<128x128xf32, #tpu.memory_space<hbm>>)
    %dma_wait3A_95 = arith.constant 0 : i32
    %dma_wait3A_96 = tpu.memref_slice %arg4[%add3A_75, %dma_wait3A_95] : memref<16384x128xf32, #tpu.memory_space<hbm>> -> memref<128x128xf32, #tpu.memory_space<hbm>>
    %dma_wait3A_97 = arith.constant 0 : i32
    %dma_wait3A_98 = tpu.memref_slice %arg4[%add3A_75, %dma_wait3A_97] : memref<16384x128xf32, #tpu.memory_space<hbm>> -> memref<128x128xf32, #tpu.memory_space<hbm>>
    tpu.wait_dma2 semaphore(%arg10 : memref<!tpu.dma_semaphore, #tpu.memory_space<semaphore_mem>>) src(%arg6 : memref<128x128xf32, #tpu.memory_space<vmem>>) dst(%dma_wait3A_98 : memref<128x128xf32, #tpu.memory_space<hbm>>)
    return
  }
}

module attributes {stable_mosaic.version = 14 : i64} {
  func.func @_prob_body(%arg0: i32, %arg1: memref<16x128x128xf32, #tpu.memory_space<vmem>>, %arg2: memref<16x128x128xf32, #tpu.memory_space<vmem>>, %arg3: memref<16x128xi32, #tpu.memory_space<vmem>>, %arg4: memref<16x128xi32, #tpu.memory_space<vmem>>, %arg5: memref<16x128xf32, #tpu.memory_space<vmem>>) attributes {dimension_semantics = [#tpu.dimension_semantics<arbitrary>], iteration_bounds = array<i64: 8>, scalar_prefetch = 0 : i64, scratch_operands = 0 : i64, tpu.core_type = #tpu.core_type<tc>, window_params = [{transform_indices = @transform_0, window_bounds = array<i64: 16, 128, 128>}, {transform_indices = @transform_1, window_bounds = array<i64: 16, 128, 128>}, {transform_indices = @transform_2, window_bounds = array<i64: 16, 128>}, {transform_indices = @transform_3, window_bounds = array<i64: 16, 128>}, {transform_indices = @transform_4, window_bounds = array<i64: 16, 128>}]} {
    %get3A = arith.constant 0 : index
    %get3A_0 = arith.constant 0 : index
    %get3A_1 = arith.constant 0 : index
    %get3A_2 = vector.load %arg1[%get3A, %get3A_0, %get3A_1] : memref<16x128x128xf32, #tpu.memory_space<vmem>>, vector<16x128x128xf32>
    %get3A_3 = arith.constant 0 : index
    %get3A_4 = arith.constant 0 : index
    %get3A_5 = arith.constant 0 : index
    %get3A_6 = vector.load %arg2[%get3A_3, %get3A_4, %get3A_5] : memref<16x128x128xf32, #tpu.memory_space<vmem>>, vector<16x128x128xf32>
    %get3A_7 = arith.constant 0 : index
    %get3A_8 = arith.constant 0 : index
    %get3A_9 = vector.load %arg3[%get3A_7, %get3A_8] : memref<16x128xi32, #tpu.memory_space<vmem>>, vector<16x128xi32>
    %broadcast_in_dim3A = vector.shape_cast %get3A_9 : vector<16x128xi32> to vector<16x128x1xi32>
    %eq3A = arith.constant 1 : i32
    %eq3A_10 = vector.broadcast %eq3A : i32 to vector<16x128x1xi32>
    %eq3A_11 = arith.cmpi eq, %broadcast_in_dim3A, %eq3A_10 : vector<16x128x1xi32>
    %get3A_12 = arith.constant 0 : index
    %get3A_13 = arith.constant 0 : index
    %get3A_14 = vector.load %arg4[%get3A_12, %get3A_13] : memref<16x128xi32, #tpu.memory_space<vmem>>, vector<16x128xi32>
    %broadcast_in_dim3A_15 = vector.shape_cast %get3A_14 : vector<16x128xi32> to vector<16x128x1xi32>
    %eq3A_16 = arith.constant 1 : i32
    %eq3A_17 = vector.broadcast %eq3A_16 : i32 to vector<16x128x1xi32>
    %eq3A_18 = arith.cmpi eq, %broadcast_in_dim3A_15, %eq3A_17 : vector<16x128x1xi32>
    %slice3A = vector.extract_strided_slice %get3A_2 {offsets = [0, 0, 64], sizes = [16, 128, 64], strides = [1, 1, 1]} : vector<16x128x128xf32> to vector<16x128x64xf32>
    %slice3A_19 = vector.extract_strided_slice %get3A_2 {offsets = [0, 0, 0], sizes = [16, 128, 64], strides = [1, 1, 1]} : vector<16x128x128xf32> to vector<16x128x64xf32>
    %broadcast_in_dim3A_20 = vector.shape_cast %eq3A_11 : vector<16x128x1xi1> to vector<16x128x1xi1>
    %broadcast_in_dim3A_21 = vector.broadcast %broadcast_in_dim3A_20 : vector<16x128x1xi1> to vector<16x128x64xi1>
    %select_n3A = arith.select %broadcast_in_dim3A_21, %slice3A, %slice3A_19 : vector<16x128x64xi1>, vector<16x128x64xf32>
    %slice3A_22 = vector.extract_strided_slice %get3A_6 {offsets = [0, 0, 64], sizes = [16, 128, 64], strides = [1, 1, 1]} : vector<16x128x128xf32> to vector<16x128x64xf32>
    %slice3A_23 = vector.extract_strided_slice %get3A_6 {offsets = [0, 0, 0], sizes = [16, 128, 64], strides = [1, 1, 1]} : vector<16x128x128xf32> to vector<16x128x64xf32>
    %broadcast_in_dim3A_24 = vector.shape_cast %eq3A_18 : vector<16x128x1xi1> to vector<16x128x1xi1>
    %broadcast_in_dim3A_25 = vector.broadcast %broadcast_in_dim3A_24 : vector<16x128x1xi1> to vector<16x128x64xi1>
    %select_n3A_26 = arith.select %broadcast_in_dim3A_25, %slice3A_22, %slice3A_23 : vector<16x128x64xi1>, vector<16x128x64xf32>
    %mul3A = arith.mulf %select_n3A, %select_n3A_26 : vector<16x128x64xf32>
    %reduce_sum3A = arith.constant dense<0.000000e+00> : vector<16x128xf32>
    %reduce_sum3A_27 = vector.multi_reduction <add>, %mul3A, %reduce_sum3A [2] : vector<16x128x64xf32> to vector<16x128xf32>
    %mul3A_28 = arith.mulf %select_n3A, %select_n3A : vector<16x128x64xf32>
    %reduce_sum3A_29 = arith.constant dense<0.000000e+00> : vector<16x128xf32>
    %reduce_sum3A_30 = vector.multi_reduction <add>, %mul3A_28, %reduce_sum3A_29 [2] : vector<16x128x64xf32> to vector<16x128xf32>
    %sqrt3A = math.sqrt %reduce_sum3A_30 : vector<16x128xf32>
    %mul3A_31 = arith.mulf %select_n3A_26, %select_n3A_26 : vector<16x128x64xf32>
    %reduce_sum3A_32 = arith.constant dense<0.000000e+00> : vector<16x128xf32>
    %reduce_sum3A_33 = vector.multi_reduction <add>, %mul3A_31, %reduce_sum3A_32 [2] : vector<16x128x64xf32> to vector<16x128xf32>
    %sqrt3A_34 = math.sqrt %reduce_sum3A_33 : vector<16x128xf32>
    %mul3A_35 = arith.mulf %sqrt3A, %sqrt3A_34 : vector<16x128xf32>
    %max3A = arith.constant 9.99999993E-9 : f32
    %max3A_36 = vector.broadcast %max3A : f32 to vector<16x128xf32>
    %max3A_37 = arith.maximumf %mul3A_35, %max3A_36 : vector<16x128xf32>
    %div3A = arith.divf %reduce_sum3A_27, %max3A_37 : vector<16x128xf32>
    %add3A = arith.constant 1.000000e+00 : f32
    %add3A_38 = vector.broadcast %add3A : f32 to vector<16x128xf32>
    %add3A_39 = arith.addf %add3A_38, %div3A : vector<16x128xf32>
    %mul3A_40 = arith.constant 5.000000e-01 : f32
    %mul3A_41 = vector.broadcast %mul3A_40 : f32 to vector<16x128xf32>
    %mul3A_42 = arith.mulf %add3A_39, %mul3A_41 : vector<16x128xf32>
    %swap3A = arith.constant 0 : index
    %swap3A_43 = arith.constant 0 : index
    %swap3A_44 = vector.load %arg5[%swap3A, %swap3A_43] : memref<16x128xf32, #tpu.memory_space<vmem>>, vector<16x128xf32>
    tpu.vector_store %arg5[%swap3A, %swap3A_43], %mul3A_42 {strides = array<i32>} : memref<16x128xf32, #tpu.memory_space<vmem>>, vector<16x128xf32>,
    return
  }
  func.func @transform_0(%arg0: i32) -> (i32, i32, i32) {
    %c0_i32 = arith.constant 0 : i32
    %c0_i32_0 = arith.constant 0 : i32
    %c0_i32_1 = arith.constant 0 : i32
    return %arg0, %c0_i32, %c0_i32_0 : i32, i32, i32
  }
  func.func @transform_1(%arg0: i32) -> (i32, i32, i32) {
    %c0_i32 = arith.constant 0 : i32
    %c0_i32_0 = arith.constant 0 : i32
    %c0_i32_1 = arith.constant 0 : i32
    return %arg0, %c0_i32, %c0_i32_0 : i32, i32, i32
  }
  func.func @transform_2(%arg0: i32) -> (i32, i32) {
    %c0_i32 = arith.constant 0 : i32
    %c0_i32_0 = arith.constant 0 : i32
    return %arg0, %c0_i32 : i32, i32
  }
  func.func @transform_3(%arg0: i32) -> (i32, i32) {
    %c0_i32 = arith.constant 0 : i32
    %c0_i32_0 = arith.constant 0 : i32
    return %arg0, %c0_i32 : i32, i32
  }
  func.func @transform_4(%arg0: i32) -> (i32, i32) {
    %c0_i32 = arith.constant 0 : i32
    %c0_i32_0 = arith.constant 0 : i32
    return %arg0, %c0_i32 : i32, i32
  }
}

</mosaic_0001>

<sc_bundles>
// kernel: kernel.5.cloned.1.call-start
scs
__scs_entry_jumppad:
0x0: {  	(pc) =	sbr.rel $0x88, $3  }
0x1: {  	(tag) =	ssettag $0x0;
	lr =	simm.s32 $0x1  }
0x2: {  	[smem:$0x3F9D] =	sst lr;
	_ =	strace $0xD0000000  }
0x3: {  	_ = 	snop  }
0x4: {  	_ = 	snop  }
0x5: {  	_ = 	snop  }
0x6: {  	_ = 	snop  }
0x7: {  	_ = 	snop  }
__scs_overlays_trampoline_lowered:
0x8: {  	[smem:$0x3FAC] =	sst s0  }
0x9: {  	[smem:$0x3FAD] =	sst s1  }
0xa: {  	[smem:$0x3FAE] =	sst s2  }
0xb: {  	[smem:$0x3FAF] =	sst s3  }
0xc: {  	[smem:$0x3FB0] =	sst s4  }
0xd: {  	[smem:$0x3FB1] =	sst s5  }
0xe: {  	[smem:$0x3FB2] =	sst s6  }
0xf: {  	[smem:$0x3FB3] =	sst s7  }
0x10: {  	[smem:$0x3FB4] =	sst s8  }
0x11: {  	[smem:$0x3FB5] =	sst s9;
	s0 =	simm.s32 @!p0 $0x0  }
0x12: {  	s1 =	sld [smem:$0x3F9B];
	s0 =	simm.s32 @p0 $0x1  }
0x13: {  	[smem:$0x3FB6] =	sst s0;
	s0 =	simm.s32 @!p1 $0x0  }
0x14: {  	s2 =	sld [smem:$0x3F9A];
	s0 =	simm.s32 @p1 $0x1  }
0x15: {  	[smem:$0x3FB7] =	sst s0;
	s0 =	simm.s32 @!p2 $0x0  }
0x16: {  	s3 =	sld [smem:$0x3FDB];
	s0 =	simm.s32 @p2 $0x1  }
0x17: {  	s4 =	simm.s32 $0x1BF5;
	[smem:$0x3FB9] =	sst s0  }
0x18: {  	s0 =	sld [smem:$0x3F9C];
	_ =	swait.ge [sflag:s4], $0x0  }
0x19: {  	s7 =	sld [smem:$0x3F9D]  }
0x1a: {  	s8 =	sadd.s32 $0xFFFFE003, lr  }
0x1b: {  	s9 =	sadd.s32 $0xFFFFFEF7, lr;
	s5 =	simm.s32 $0xFFFFFFFF;
	p2 =	slt.u32 s8, $0xFFFFF086  }
0x1c: {  	p1 =	slt.u32 s9, $0xF7A;
	s5 =	simm.s32 @!p2 $0x0  }
0x1d: {  	s5 =	simm.s32 @p1 $0x1;
	p0 =	seq.s32 s7, s2  }
0x1e: {  	s7 =	smul.u32 @!p0 $0xF7A, s2;
	p2 =	seq.s32 @!p0 s5, $0x0  }
0x1f: {  	s9 =	smul.u32 $0xF7A, s1;
	s8 =	simm.s32 @!p0 $0x1BF5;
	p2 =	por !p2, p0  }
0x20: {  	[sflag:s8] =	ssyncset.s32 @!p0 $0xFFFFF086;
	s6 =	sadd.s32 @!p0 s3, s7;
	s7 =	simm.s32 @!p0 $0x108  }
0x21: {  	s3 =	sadd.s32 s3, s9;
	s6 =	sadd.s32 @!p0 $0x88, s6;
	s7 =	simm.s32 @p2 $0x1082  }
0x22: {  	[simem:s7], [sflag:s8] =	dma.local @!p0 [hbm:s6], $0xF7A  }
0x23: {  	s9 =	sor.u32 $0xD0000000, s2;
	s6 =	simm.s32 $0x108;
	_ =	swait.ge @!p0 [sflag:s8], $0x0  }
0x24: {  	s3 =	sadd.s32 $0x88, s3;
	s6 =	simm.s32 @!p1 $0x1082;
	[sflag:s4] =	ssyncset.s32 $0xFFFFF086  }
0x25: {  	[simem:s6], [sflag:s4] =	dma.local [hbm:s3], $0xF7A  }
0x26: {  	[smem:$0x3F9D] =	sst s1;
	(tag) =	ssettag s2;
	_ =	strace s9  }
0x27: {  	s1 =	sld [smem:$0x3FAD]  }
0x28: {  	s2 =	sld [smem:$0x3FAE]  }
0x29: {  	s4 =	sld [smem:$0x3FB0]  }
0x2a: {  	p0 =	seq.s32 s5, $0x0;
	s5 =	sld [smem:$0x3FB1]  }
0x2b: {  	s6 =	sld [smem:$0x3FB2]  }
0x2c: {  	s7 =	sld [smem:$0x3FB3]  }
0x2d: {  	s3 =	simm.s32 $0x108;
	s8 =	sld [smem:$0x3FB4]  }
0x2e: {  	s3 =	simm.s32 @!p0 $0x1082;
	s9 =	sld [smem:$0x3FB5]  }
0x2f: {  	lr =	sadd.s32 s0, s3;
	s0 =	sld [smem:$0x3FAC]  }
0x30: {  	s3 =	sld [smem:$0x3FAF]  }
0x31: {  	[smem:$0x3FB8] =	sst s10  }
0x32: {  	s10 =	sld [smem:$0x3FB6];
	_ =	sdelay $0x3  }
0x33: {  	p0 =	seq.s32 s10, $0x1;
	s10 =	sld [smem:$0x3FB8];
	_ =	sdelay $0x3  }
0x34: {  	[smem:$0x3FB8] =	sst s10  }
0x35: {  	s10 =	sld [smem:$0x3FB7];
	_ =	sdelay $0x3  }
0x36: {  	p1 =	seq.s32 s10, $0x1;
	s10 =	sld [smem:$0x3FB8];
	_ =	sdelay $0x3  }
0x37: {  	[smem:$0x3FB8] =	sst s10  }
0x38: {  	s10 =	sld [smem:$0x3FB9]  }
0x39: {  	_ = 	snop;
	(pc) =	sbr.ind lr, $3  }
0x3a: {  	_ = 	snop  }
0x3b: {  	_ = 	snop  }
0x3c: {  	p2 =	seq.s32 s10, $0x1;
	s10 =	sld [smem:$0x3FB8]  }
0x3d: {  	_ =	shalt  }
0x3e: {  	_ =	shalt  }
0x3f: {  	_ =	shalt  }
0x40: {  	_ =	shalt  }
0x41: {  	_ =	shalt  }
0x42: {  	_ =	shalt  }
0x43: {  	_ =	shalt  }
0x44: {  	_ =	shalt  }
0x45: {  	_ =	shalt  }
0x46: {  	_ =	shalt  }
0x47: {  	_ =	shalt  }
0x48: {  	_ =	shalt  }
0x49: {  	_ =	shalt  }
0x4a: {  	_ =	shalt  }
0x4b: {  	_ =	shalt  }
0x4c: {  	_ =	shalt  }
0x4d: {  	_ =	shalt  }
0x4e: {  	_ =	shalt  }
0x4f: {  	_ =	shalt  }
0x50: {  	_ =	shalt  }
0x51: {  	_ =	shalt  }
0x52: {  	_ =	shalt  }
0x53: {  	_ =	shalt  }
0x54: {  	_ =	shalt  }
0x55: {  	_ =	shalt  }
0x56: {  	_ =	shalt  }
0x57: {  	_ =	shalt  }
0x58: {  	_ =	shalt  }
0x59: {  	_ =	shalt  }
0x5a: {  	_ =	shalt  }
0x5b: {  	_ =	shalt  }
0x5c: {  	_ =	shalt  }
0x5d: {  	_ =	shalt  }
0x5e: {  	_ =	shalt  }
0x5f: {  	_ =	shalt  }
0x60: {  	_ =	shalt  }
0x61: {  	_ =	shalt  }
0x62: {  	_ =	shalt  }
0x63: {  	_ =	shalt  }
0x64: {  	_ =	shalt  }
0x65: {  	_ =	shalt  }
0x66: {  	_ =	shalt  }
0x67: {  	_ =	shalt  }
0x68: {  	_ =	shalt  }
0x69: {  	_ =	shalt  }
0x6a: {  	_ =	shalt  }
0x6b: {  	_ =	shalt  }
0x6c: {  	_ =	shalt  }
0x6d: {  	_ =	shalt  }
0x6e: {  	_ =	shalt  }
0x6f: {  	_ =	shalt  }
0x70: {  	_ =	shalt  }
0x71: {  	_ =	shalt  }
0x72: {  	_ =	shalt  }
0x73: {  	_ =	shalt  }
0x74: {  	_ =	shalt  }
0x75: {  	_ =	shalt  }
0x76: {  	_ =	shalt  }
0x77: {  	_ =	shalt  }
0x78: {  	_ =	shalt  }
0x79: {  	_ =	shalt  }
0x7a: {  	_ =	shalt  }
0x7b: {  	_ =	shalt  }
0x7c: {  	_ =	shalt  }
0x7d: {  	_ =	shalt  }
0x7e: {  	_ =	shalt  }
0x7f: {  	_ =	shalt  }
0x80: {  	_ =	shalt  }
0x81: {  	_ =	shalt  }
0x82: {  	_ =	shalt  }
0x83: {  	_ =	shalt  }
0x84: {  	_ =	shalt  }
0x85: {  	_ =	shalt  }
0x86: {  	_ =	shalt  }
0x87: {  	_ =	shalt  }
.Lfunc_end0:
.L_simem_size_0:
called_computation_lowered:
.L_overlay_start_0:
0x88: {  	s2 =	sld [smem:$0x3FD9]  }
0x89: {  	s3 =	sld [smem:$0x3FFE];
	_ =	sdelay $0x1  }
0x8a: {  	s1 =	srdreg.scid  }
0x8b: {  	s0 =	sand.u32 $0x1, s1  }
0x8c: {  	s16 =	sshll.u32 s0, $0xA;
	s2 =	sadd.s32 s3, s2  }
0x8d: {  	s2 =	sadd.s32 s2, s16  }
0x8e: {  	[smem:$0x3FC4] =	sst s2  }
0x8f: {  	_ = 	snop  }
0x90: {  	(tm) =	ssettm $0x1  }
0x91: {  	s17 =	sld [smem:$0x3FFB];
	_ =	sdelay $0x3  }
0x92: {  	_ =	strace s17  }
0x93: {  	s2 =	sld [smem:$0x3FFC];
	_ =	sdelay $0x3  }
0x94: {  	_ =	strace s2  }
0x95: {  	s2 =	sld [smem:$0x3FFD];
	_ =	sdelay $0x3  }
0x96: {  	_ =	strace s2  }
0x97: {  	_ =	strace $0x8FFFFFFF  }
0x98: {  	s18 =	sld [smem:$0x3FDB];
	_ =	sdelay $0x1  }
0x99: {  	s19 =	simm.s32 $_scs_section_size  }
0x9a: {  	s4 =	simm.s32 $_size__tile_overlayer_lowered;
	s5 =	simm.s32 $_tile_overlayer_lowered  }
0x9b: {  	s22 =	simm.s32 $0x1BFF;
	s21 =	sshll.u32 s5, $0x1;
	s2 =	sadd.s32 s19, s18  }
0x9c: {  	s6 =	simm.s32 $0x0;
	s20 =	sshll.u32 s4, $0x1;
	s4 =	sadd.s32 s21, s2  }
0x9d: {  	[timem:s6], [sflag:s22] =	dma.local [hbm:s4], s20  }
0x9e: {  	_ =	swait.ge [sflag:s22], s20  }
0x9f: {  	s3 =	ssub.s32 $0x0, s20;
	[sflag:s22] =	ssyncset.done $0x0  }
0xa0: {  	[sflag:s22] =	ssyncadd.s32 s3;
	_ =	sdelay $0x1  }
0xa1: {  	s23 =	simm.s32 $0x1B8B  }
0xa2: {  	_ =	swait.ge [sflag:s23], $0x1  }
0xa3: {  	[sflag:s23] =	ssyncset.done $0x0  }
0xa4: {  	s25 =	simm.s32 $0x1B8E;
	s24 =	sld [smem:$0x3FFE];
	[sflag:s23] =	ssyncadd.s32 $0xFFFFFFFF  }
0xa5: {  	s26 =	simm.s32 $execute0_lowered;
	[smem:$0x3FD2] =	sst s25  }
0xa6: {  	s4 =	sshll.u32 s26, $0x1;
	_ =	strace $0x80000046;
	[dreg:$0x1] =	wrdreg $0xFFFFFFFF  }
0xa7: {  	s28 =	simm.s32 $_size_execute0_lowered;
	s2 =	sadd.s32 s2, s4;
	[dreg:$0x0] =	wrdreg $0x0  }
0xa8: {  	s4 =	sshll.u32 s28, $0x1;
	[dreg:$0x2] =	wrdreg s2  }
0xa9: {  	[dreg:$0x3] =	wrdreg s4  }
0xaa: {  	[dreg:$0x4] =	wrdreg $0xC0  }
0xab: {  	_ =	task [dreg:s6], $0x5FFFF  }
0xac: {  	[dreg:$0x1] =	wrdreg $0xFFFFFFFF  }
0xad: {  	[dreg:$0x0] =	wrdreg $0x60  }
0xae: {  	[dreg:$0x2] =	wrdreg s24  }
0xaf: {  	[dreg:$0x3] =	wrdreg $0x9  }
0xb0: {  	_ =	task.clear_ibuf [dreg:s6], $0x4FFFF;
	_ =	strace $0x90000046  }
0xb1: {  	s29 =	simm.s32 $0x9;
	_ =	strace $0x80000048  }
0xb2: {  	_ =	swait.ge [sflag:s29], $0x1  }
0xb3: {  	[sflag:s29] =	ssyncadd.s32 $0xFFFFFFFF  }
0xb4: {  	_ =	strace $0x90000048  }
0xb5: {  	_ =	sfence  }
0xb6: {  	s30 =	sld [smem:$0x0];
	_ =	sdelay $0x2  }
0xb7: {  	s31 =	sshll.u32 s1, $0xD;
	s1 =	sshrl.u32 s1, $0x2  }
0xb8: {  	s3 =	sand.u32 $0x4000, s31;
	s1 =	sadd.s32 s1, s30  }
0xb9: {  	s0 =	sor.u32 s3, s0;
	s1 =	sshll.u32 s1, $0x11  }
0xba: {  	s0 =	sor.u32 s1, s0  }
0xbb: {  	s0 =	sadd.s32 $0x8F2B, s0  }
0xbc: {  	[sflag:s0] =	ssyncadd.remote.s32 $0x1  }
0xbd: {  	_ =	sfence.sel $0xFFFF  }
0xbe: {  	[dreg:$0x0] =	wrdreg $0xFFFFFFFF;
	(pc) =	sbr.abs _section_cstart, $3  }
0xbf: {  	[dreg:$0x1] =	wrdreg $0xFFFFFFFF  }
0xc0: {  	_ =	task.clear_ibuf [dreg:s6], $0x2FFFF;
	_ =	strace $0x9FFFFFFF  }
0xc1: {  	(tm) =	ssettm $0x7FFFFFFF  }
tec
execute0_lowered:
.L_overlay_start_1:
0x0: {  	(tag) =	ssettag $0x1  }
0x1: {  	s0 =	srdreg.scid  }
0x2: {  	s12 =	rddreg [dreg:$0x0];
	s18 =	sand.u32 $0x1, s0  }
0x3: {  	s1 =	stileid.u32;
	s2 =	simm.s32 $0x0;
	s3 =	sshll.u32 s18, $0x6  }
0x4: {  	s0 =	rddreg [dreg:$0x1];
	s4 =	sshll.u32 s1, $0x7;
	s3 =	sadd.s32 s3, s12  }
0x5: {  	[smem:$0x7FF] =	sst s2;
	s3 =	sadd.s32 s4, s3  }
0x6: {  	_ =	strace $0x80000047;
	s4 =	simm.s32 $0x3;
	s3 =	sadd.s32 $0x2E00, s3  }
0x7: {  	[tilespmem:s2], [sflag:$0x3] =	stream.linear.gather [hbm4b:s3+s2], $0x200, $0x38;
	[tilespmem:$0xC200] =	vst v63  }
0x8: {  	_ =	swait.ge [sflag:s4], $0x200  }
0x9: {  	s6 =	simm.s32 $0x80;
	[sflag:s4] =	ssyncset.done $0x0  }
0xa: {  	s7 =	simm.s32 $0x200;
	s5 =	sadd.s32 $0x189800, s12;
	[sflag:s4] =	ssyncadd.s32 $0xFFFFFE00  }
0xb: {  	[tilespmem:s7], [sflag:$0x1] =	stream.indirect.gather [hbm4b:s5+s6], $0x80, s2, s6, $0xb8;
	[tilespmem:$0xC200] =	vst v63  }
0xc: {  	s8 =	simm.s32 $0x4200;
	s9 =	simm.s32 $0x100;
	s10 =	simm.s32 $0x8200  }
0xd: {  	[tilespmem:s8], [sflag:$0x1] =	stream.indirect.gather [hbm4b:s5+s6], $0x80, s6, s6, $0xb8;
	[tilespmem:$0xC200] =	vst v63  }
0xe: {  	s11 =	simm.s32 $0x1;
	s13 =	sshll.u32 s1, $0xE;
	s14 =	sshll.u32 s18, $0xD  }
0xf: {  	[tilespmem:s10], [sflag:$0x1] =	stream.indirect.gather [hbm4b:s5+s6], $0x80, s9, s6, $0xb8;
	[tilespmem:$0xC200] =	vst v63  }
0x10: {  	s13 =	sor.u32 s14, s13;
	_ =	swait.ge [sflag:s11], $0x4000  }
0x11: {  	s17 =	sadd.s32 s13, s12;
	[sflag:s11] =	ssyncset.done $0x0  }
0x12: {  	s12 =	simm.s32 $0x2;
	s13 =	sadd.s32 $0x3600, s17;
	[sflag:s11] =	ssyncadd.s32 $0xFFFFC000  }
0x13: {  	[hbm4b:s13+s2] =	stream.linear.scatter [tilespmem:s7], [sflag:$0x2], $0x4000, $0x38;
	[tilespmem:$0xC200] =	vst v63  }
0x14: {  	_ =	swait.ge [sflag:s12], $0x4000  }
0x15: {  	[sflag:s12] =	ssyncset.done $0x0  }
0x16: {  	s14 =	simm.s32 $0x180;
	[sflag:s12] =	ssyncadd.s32 $0xFFFFC000  }
0x17: {  	[tilespmem:s7], [sflag:$0x1] =	stream.indirect.gather [hbm4b:s5+s6], $0x80, s14, s6, $0xb8;
	[tilespmem:$0xC200] =	vst v63  }
0x18: {  	_ =	swait.ge [sflag:s11], $0x4000  }
0x19: {  	[sflag:s11] =	ssyncset.done $0x0  }
0x1a: {  	s15 =	sadd.s32 $0x3E00, s17;
	[sflag:s11] =	ssyncadd.s32 $0xFFFFC000  }
0x1b: {  	[hbm4b:s15+s2] =	stream.linear.scatter [tilespmem:s8], [sflag:$0x2], $0x4000, $0x38;
	[tilespmem:$0xC200] =	vst v63  }
0x1c: {  	_ =	swait.ge [sflag:s11], $0x4000  }
0x1d: {  	[sflag:s11] =	ssyncset.done $0x0  }
0x1e: {  	s16 =	sadd.s32 $0x4600, s17;
	[sflag:s11] =	ssyncadd.s32 $0xFFFFC000  }
0x1f: {  	[hbm4b:s16+s2] =	stream.linear.scatter [tilespmem:s10], [sflag:$0x2], $0x4000, $0x38;
	[tilespmem:$0xC200] =	vst v63  }
0x20: {  	_ =	swait.ge [sflag:s11], $0x4000  }
0x21: {  	s18 =	ssub.s32 $0x2, s18;
	[sflag:s11] =	ssyncset.done $0x0  }
0x22: {  	s19 =	sshrl.u32 s18, $0x1;
	s17 =	sadd.s32 $0x4E00, s17;
	[sflag:s11] =	ssyncadd.s32 $0xFFFFC000  }
0x23: {  	[hbm4b:s17+s2] =	stream.linear.scatter [tilespmem:s7], [sflag:$0x2], $0x4000, $0x38;
	[tilespmem:$0xC200] =	vst v63  }
0x24: {  	s18 =	ssub.s32 s18, s19;
	_ =	swait.ge [sflag:s12], $0x4000  }
0x25: {  	s18 =	smax.u32 s18, $0x1;
	[sflag:s12] =	ssyncset.done $0x0  }
0x26: {  	p0 =	sne.s32 s18, $0x1;
	[sflag:s12] =	ssyncadd.s32 $0xFFFFC000  }
.Ltmp0:
0x27: {  	_ =	swait.ge [sflag:s12], $0x4000;
	(pc) =	sbr.rel @!p0 .LBB2_2-.Ltmp0, $4  }
0x28: {  	[sflag:s12] =	ssyncset.done $0x0  }
0x29: {  	[sflag:s12] =	ssyncadd.s32 $0xFFFFC000  }
0x2a: {  	_ =	swait.ge [sflag:s12], $0x4000  }
0x2b: {  	s18 =	sadd.s32 $0xFFFFFFFF, s18;
	[sflag:s12] =	ssyncset.done $0x0  }
.LBB2_1:
0x2c: {  	p0 =	sne.s32 s18, $0x1;
	s18 =	sadd.s32 $0xFFFFFFFF, s18;
	[sflag:s12] =	ssyncadd.s32 $0xFFFFC000  }
0x2d: {  	[tilespmem:s2], [sflag:$0x3] =	stream.linear.gather [hbm4b:s3+s2], $0x200, $0x38;
	[tilespmem:$0xC200] =	vst v63  }
0x2e: {  	_ =	swait.ge [sflag:s4], $0x200  }
0x2f: {  	[sflag:s4] =	ssyncset.done $0x0  }
0x30: {  	[sflag:s4] =	ssyncadd.s32 $0xFFFFFE00  }
0x31: {  	[tilespmem:s7], [sflag:$0x1] =	stream.indirect.gather [hbm4b:s5+s6], $0x80, s2, s6, $0xb8;
	[tilespmem:$0xC200] =	vst v63  }
0x32: {  	_ = 	snop  }
0x33: {  	[tilespmem:s8], [sflag:$0x1] =	stream.indirect.gather [hbm4b:s5+s6], $0x80, s6, s6, $0xb8;
	[tilespmem:$0xC200] =	vst v63  }
0x34: {  	_ = 	snop  }
0x35: {  	[tilespmem:s10], [sflag:$0x1] =	stream.indirect.gather [hbm4b:s5+s6], $0x80, s9, s6, $0xb8;
	[tilespmem:$0xC200] =	vst v63  }
0x36: {  	_ =	swait.ge [sflag:s11], $0x4000  }
0x37: {  	[sflag:s11] =	ssyncset.done $0x0  }
0x38: {  	[sflag:s11] =	ssyncadd.s32 $0xFFFFC000  }
0x39: {  	[hbm4b:s13+s2] =	stream.linear.scatter [tilespmem:s7], [sflag:$0x2], $0x4000, $0x38;
	[tilespmem:$0xC200] =	vst v63  }
0x3a: {  	_ =	swait.ge [sflag:s12], $0x4000  }
0x3b: {  	[sflag:s12] =	ssyncset.done $0x0  }
0x3c: {  	[sflag:s12] =	ssyncadd.s32 $0xFFFFC000  }
0x3d: {  	[tilespmem:s7], [sflag:$0x1] =	stream.indirect.gather [hbm4b:s5+s6], $0x80, s14, s6, $0xb8;
	[tilespmem:$0xC200] =	vst v63  }
0x3e: {  	_ =	swait.ge [sflag:s11], $0x4000  }
0x3f: {  	[sflag:s11] =	ssyncset.done $0x0  }
0x40: {  	[sflag:s11] =	ssyncadd.s32 $0xFFFFC000  }
0x41: {  	[hbm4b:s15+s2] =	stream.linear.scatter [tilespmem:s8], [sflag:$0x2], $0x4000, $0x38;
	[tilespmem:$0xC200] =	vst v63  }
0x42: {  	_ =	swait.ge [sflag:s11], $0x4000  }
0x43: {  	[sflag:s11] =	ssyncset.done $0x0  }
0x44: {  	[sflag:s11] =	ssyncadd.s32 $0xFFFFC000  }
0x45: {  	[hbm4b:s16+s2] =	stream.linear.scatter [tilespmem:s10], [sflag:$0x2], $0x4000, $0x38;
	[tilespmem:$0xC200] =	vst v63  }
0x46: {  	_ =	swait.ge [sflag:s11], $0x4000  }
0x47: {  	[sflag:s11] =	ssyncset.done $0x0  }
0x48: {  	[sflag:s11] =	ssyncadd.s32 $0xFFFFC000  }
0x49: {  	[hbm4b:s17+s2] =	stream.linear.scatter [tilespmem:s7], [sflag:$0x2], $0x4000, $0x38;
	[tilespmem:$0xC200] =	vst v63  }
0x4a: {  	_ =	swait.ge [sflag:s12], $0x4000  }
0x4b: {  	[sflag:s12] =	ssyncset.done $0x0  }
0x4c: {  	[sflag:s12] =	ssyncadd.s32 $0xFFFFC000  }
.Ltmp1:
0x4d: {  	_ =	swait.ge [sflag:s12], $0x4000;
	(pc) =	sbr.rel @p0 .LBB2_1-.Ltmp1, $4  }
0x4e: {  	[sflag:s12] =	ssyncset.done $0x0  }
0x4f: {  	[sflag:s12] =	ssyncadd.s32 $0xFFFFC000  }
0x50: {  	_ =	swait.ge [sflag:s12], $0x4000  }
0x51: {  	[sflag:s12] =	ssyncset.done $0x0  }
.LBB2_2:
0x52: {  	[sflag:s12] =	ssyncadd.s32 $0xFFFFC000  }
0x53: {  	_ =	sfence.sel $0x180000  }
0x54: {  	[bflag:$0x0] =	sbarrier.arrive $0xFFFF  }
0x55: {  	p0 =	sne.s32 s1, $0x0;
	_ =	strace $0x90000047  }
0x56: {  	s0 =	sadd.s32 @!p0 $0x100000, s0;
	[bflag:$0x2] =	sbarrier.arrive $0xFFFF  }
0x57: {  	[sflag:s0] =	ssyncadd.tile.s32 @!p0 $0x1;
	_ =	shalt  }
.Lfunc_end2:
_tile_overlayer_lowered:
.L_overlay_start_2:
0x58: {  	(tag) =	ssettag $0x2  }
0x59: {  	s0 =	rddreg [dreg:$0x0];
	s2 =	stileid.u32  }
0x5a: {  	s1 =	rddreg [dreg:$0x1];
	p0 =	sne.s32 s2, $0x0  }
0x5b: {  	s3 =	rddreg [dreg:$0x2];
	[bflag:$0x3] =	sbarrier.arrive $0xFFFF;
	s2 =	simm.s32 @!p0 $0x1C03  }
0x5c: {  	[timem:s3], [sflag:s2] =	dma.local @!p0 [hbm:s0], s1  }
0x5d: {  	s0 =	simm.s32 @!p0 $0x3  }
0x5e: {  	_ =	swait.ge @!p0 [sflag:s0], s1  }
0x5f: {  	s1 =	ssub.s32 @!p0 $0x0, s1;
	[sflag:s0] =	ssyncset.done @!p0 $0x0  }
0x60: {  	[sflag:s0] =	ssyncadd.s32 @!p0 s1  }
0x61: {  	[bflag:$0x3] =	sbarrier.arrive $0xFFFF  }
0x62: {  	_ =	shalt  }

// kernel: kernel.8.cloned.1.call-start
scs
__scs_entry_jumppad:
0x0: {  	(pc) =	sbr.rel $0x88, $3  }
0x1: {  	(tag) =	ssettag $0x0;
	lr =	simm.s32 $0x1  }
0x2: {  	[smem:$0x3F9D] =	sst lr;
	_ =	strace $0xD0000000  }
0x3: {  	_ = 	snop  }
0x4: {  	_ = 	snop  }
0x5: {  	_ = 	snop  }
0x6: {  	_ = 	snop  }
0x7: {  	_ = 	snop  }
__scs_overlays_trampoline_lowered:
0x8: {  	[smem:$0x3FAC] =	sst s0  }
0x9: {  	[smem:$0x3FAD] =	sst s1  }
0xa: {  	[smem:$0x3FAE] =	sst s2  }
0xb: {  	[smem:$0x3FAF] =	sst s3  }
0xc: {  	[smem:$0x3FB0] =	sst s4  }
0xd: {  	[smem:$0x3FB1] =	sst s5  }
0xe: {  	[smem:$0x3FB2] =	sst s6  }
0xf: {  	[smem:$0x3FB3] =	sst s7  }
0x10: {  	[smem:$0x3FB4] =	sst s8  }
0x11: {  	[smem:$0x3FB5] =	sst s9;
	s0 =	simm.s32 @!p0 $0x0  }
0x12: {  	s1 =	sld [smem:$0x3F9B];
	s0 =	simm.s32 @p0 $0x1  }
0x13: {  	[smem:$0x3FB6] =	sst s0;
	s0 =	simm.s32 @!p1 $0x0  }
0x14: {  	s2 =	sld [smem:$0x3F9A];
	s0 =	simm.s32 @p1 $0x1  }
0x15: {  	[smem:$0x3FB7] =	sst s0;
	s0 =	simm.s32 @!p2 $0x0  }
0x16: {  	s3 =	sld [smem:$0x3FDB];
	s0 =	simm.s32 @p2 $0x1  }
0x17: {  	s4 =	simm.s32 $0x1BF5;
	[smem:$0x3FB9] =	sst s0  }
0x18: {  	s0 =	sld [smem:$0x3F9C];
	_ =	swait.ge [sflag:s4], $0x0  }
0x19: {  	s7 =	sld [smem:$0x3F9D]  }
0x1a: {  	s8 =	sadd.s32 $0xFFFFE003, lr  }
0x1b: {  	s9 =	sadd.s32 $0xFFFFFEF7, lr;
	s5 =	simm.s32 $0xFFFFFFFF;
	p2 =	slt.u32 s8, $0xFFFFF086  }
0x1c: {  	p1 =	slt.u32 s9, $0xF7A;
	s5 =	simm.s32 @!p2 $0x0  }
0x1d: {  	s5 =	simm.s32 @p1 $0x1;
	p0 =	seq.s32 s7, s2  }
0x1e: {  	s7 =	smul.u32 @!p0 $0xF7A, s2;
	p2 =	seq.s32 @!p0 s5, $0x0  }
0x1f: {  	s9 =	smul.u32 $0xF7A, s1;
	s8 =	simm.s32 @!p0 $0x1BF5;
	p2 =	por !p2, p0  }
0x20: {  	[sflag:s8] =	ssyncset.s32 @!p0 $0xFFFFF086;
	s6 =	sadd.s32 @!p0 s3, s7;
	s7 =	simm.s32 @!p0 $0x108  }
0x21: {  	s3 =	sadd.s32 s3, s9;
	s6 =	sadd.s32 @!p0 $0x88, s6;
	s7 =	simm.s32 @p2 $0x1082  }
0x22: {  	[simem:s7], [sflag:s8] =	dma.local @!p0 [hbm:s6], $0xF7A  }
0x23: {  	s9 =	sor.u32 $0xD0000000, s2;
	s6 =	simm.s32 $0x108;
	_ =	swait.ge @!p0 [sflag:s8], $0x0  }
0x24: {  	s3 =	sadd.s32 $0x88, s3;
	s6 =	simm.s32 @!p1 $0x1082;
	[sflag:s4] =	ssyncset.s32 $0xFFFFF086  }
0x25: {  	[simem:s6], [sflag:s4] =	dma.local [hbm:s3], $0xF7A  }
0x26: {  	[smem:$0x3F9D] =	sst s1;
	(tag) =	ssettag s2;
	_ =	strace s9  }
0x27: {  	s1 =	sld [smem:$0x3FAD]  }
0x28: {  	s2 =	sld [smem:$0x3FAE]  }
0x29: {  	s4 =	sld [smem:$0x3FB0]  }
0x2a: {  	p0 =	seq.s32 s5, $0x0;
	s5 =	sld [smem:$0x3FB1]  }
0x2b: {  	s6 =	sld [smem:$0x3FB2]  }
0x2c: {  	s7 =	sld [smem:$0x3FB3]  }
0x2d: {  	s3 =	simm.s32 $0x108;
	s8 =	sld [smem:$0x3FB4]  }
0x2e: {  	s3 =	simm.s32 @!p0 $0x1082;
	s9 =	sld [smem:$0x3FB5]  }
0x2f: {  	lr =	sadd.s32 s0, s3;
	s0 =	sld [smem:$0x3FAC]  }
0x30: {  	s3 =	sld [smem:$0x3FAF]  }
0x31: {  	[smem:$0x3FB8] =	sst s10  }
0x32: {  	s10 =	sld [smem:$0x3FB6];
	_ =	sdelay $0x3  }
0x33: {  	p0 =	seq.s32 s10, $0x1;
	s10 =	sld [smem:$0x3FB8];
	_ =	sdelay $0x3  }
0x34: {  	[smem:$0x3FB8] =	sst s10  }
0x35: {  	s10 =	sld [smem:$0x3FB7];
	_ =	sdelay $0x3  }
0x36: {  	p1 =	seq.s32 s10, $0x1;
	s10 =	sld [smem:$0x3FB8];
	_ =	sdelay $0x3  }
0x37: {  	[smem:$0x3FB8] =	sst s10  }
0x38: {  	s10 =	sld [smem:$0x3FB9]  }
0x39: {  	_ = 	snop;
	(pc) =	sbr.ind lr, $3  }
0x3a: {  	_ = 	snop  }
0x3b: {  	_ = 	snop  }
0x3c: {  	p2 =	seq.s32 s10, $0x1;
	s10 =	sld [smem:$0x3FB8]  }
0x3d: {  	_ =	shalt  }
0x3e: {  	_ =	shalt  }
0x3f: {  	_ =	shalt  }
0x40: {  	_ =	shalt  }
0x41: {  	_ =	shalt  }
0x42: {  	_ =	shalt  }
0x43: {  	_ =	shalt  }
0x44: {  	_ =	shalt  }
0x45: {  	_ =	shalt  }
0x46: {  	_ =	shalt  }
0x47: {  	_ =	shalt  }
0x48: {  	_ =	shalt  }
0x49: {  	_ =	shalt  }
0x4a: {  	_ =	shalt  }
0x4b: {  	_ =	shalt  }
0x4c: {  	_ =	shalt  }
0x4d: {  	_ =	shalt  }
0x4e: {  	_ =	shalt  }
0x4f: {  	_ =	shalt  }
0x50: {  	_ =	shalt  }
0x51: {  	_ =	shalt  }
0x52: {  	_ =	shalt  }
0x53: {  	_ =	shalt  }
0x54: {  	_ =	shalt  }
0x55: {  	_ =	shalt  }
0x56: {  	_ =	shalt  }
0x57: {  	_ =	shalt  }
0x58: {  	_ =	shalt  }
0x59: {  	_ =	shalt  }
0x5a: {  	_ =	shalt  }
0x5b: {  	_ =	shalt  }
0x5c: {  	_ =	shalt  }
0x5d: {  	_ =	shalt  }
0x5e: {  	_ =	shalt  }
0x5f: {  	_ =	shalt  }
0x60: {  	_ =	shalt  }
0x61: {  	_ =	shalt  }
0x62: {  	_ =	shalt  }
0x63: {  	_ =	shalt  }
0x64: {  	_ =	shalt  }
0x65: {  	_ =	shalt  }
0x66: {  	_ =	shalt  }
0x67: {  	_ =	shalt  }
0x68: {  	_ =	shalt  }
0x69: {  	_ =	shalt  }
0x6a: {  	_ =	shalt  }
0x6b: {  	_ =	shalt  }
0x6c: {  	_ =	shalt  }
0x6d: {  	_ =	shalt  }
0x6e: {  	_ =	shalt  }
0x6f: {  	_ =	shalt  }
0x70: {  	_ =	shalt  }
0x71: {  	_ =	shalt  }
0x72: {  	_ =	shalt  }
0x73: {  	_ =	shalt  }
0x74: {  	_ =	shalt  }
0x75: {  	_ =	shalt  }
0x76: {  	_ =	shalt  }
0x77: {  	_ =	shalt  }
0x78: {  	_ =	shalt  }
0x79: {  	_ =	shalt  }
0x7a: {  	_ =	shalt  }
0x7b: {  	_ =	shalt  }
0x7c: {  	_ =	shalt  }
0x7d: {  	_ =	shalt  }
0x7e: {  	_ =	shalt  }
0x7f: {  	_ =	shalt  }
0x80: {  	_ =	shalt  }
0x81: {  	_ =	shalt  }
0x82: {  	_ =	shalt  }
0x83: {  	_ =	shalt  }
0x84: {  	_ =	shalt  }
0x85: {  	_ =	shalt  }
0x86: {  	_ =	shalt  }
0x87: {  	_ =	shalt  }
.Lfunc_end0:
.L_simem_size_0:
called_computation.1_lowered:
.L_overlay_start_0:
0x88: {  	s2 =	sld [smem:$0x3FD9]  }
0x89: {  	s3 =	sld [smem:$0x3FFE];
	_ =	sdelay $0x1  }
0x8a: {  	s1 =	srdreg.scid  }
0x8b: {  	s0 =	sand.u32 $0x1, s1  }
0x8c: {  	s17 =	sshll.u32 s0, $0xA;
	s2 =	sadd.s32 s3, s2  }
0x8d: {  	s2 =	sadd.s32 s2, s17  }
0x8e: {  	[smem:$0x3FC4] =	sst s2  }
0x8f: {  	_ = 	snop  }
0x90: {  	s18 =	sld [smem:$0x3FD0];
	(tm) =	ssettm $0x1  }
0x91: {  	s19 =	sld [smem:$0x3FFB];
	_ =	sdelay $0x3  }
0x92: {  	_ =	strace s19  }
0x93: {  	s2 =	sld [smem:$0x3FFC];
	_ =	sdelay $0x3  }
0x94: {  	_ =	strace s2  }
0x95: {  	s2 =	sld [smem:$0x3FFD];
	_ =	sdelay $0x3  }
0x96: {  	_ =	strace s2  }
0x97: {  	_ =	strace $0x8FFFFFFF  }
0x98: {  	s20 =	sld [smem:$0x3FDB];
	_ =	sdelay $0x1  }
0x99: {  	s4 =	simm.s32 $_scs_section_size  }
0x9a: {  	s5 =	simm.s32 $_size__tile_overlayer_lowered;
	s6 =	simm.s32 $_tile_overlayer_lowered  }
0x9b: {  	s7 =	simm.s32 $0x1BFF;
	s21 =	sshll.u32 s6, $0x1;
	s4 =	sadd.s32 s4, s20  }
0x9c: {  	s22 =	simm.s32 $0x0;
	s5 =	sshll.u32 s5, $0x1;
	s6 =	sadd.s32 s21, s4  }
0x9d: {  	[timem:s22], [sflag:s7] =	dma.local [hbm:s6], s5  }
0x9e: {  	_ =	swait.ge [sflag:s7], s5  }
0x9f: {  	s5 =	ssub.s32 $0x0, s5;
	[sflag:s7] =	ssyncset.done $0x0  }
0xa0: {  	[sflag:s7] =	ssyncadd.s32 s5;
	_ =	sdelay $0x1  }
0xa1: {  	s23 =	simm.s32 $0x1B8B  }
0xa2: {  	_ =	swait.ge [sflag:s23], $0x1  }
0xa3: {  	[sflag:s23] =	ssyncset.done $0x0  }
0xa4: {  	[sflag:s23] =	ssyncadd.s32 $0xFFFFFFFF  }
0xa5: {  	s5 =	sld [smem:$0x0]  }
0xa6: {  	s6 =	sand.u32 $0xFFFFFFFE, s1  }
0xa7: {  	p0 =	sne.s32 s1, s6  }
0xa8: {  	s6 =	sshll.u32 @p0 s6, $0xE  }
0xa9: {  	s6 =	sadd.s32 @p0 $0x11B8D, s6;
	s7 =	sshll.u32 @p0 s5, $0x11  }
0xaa: {  	s6 =	sor.u32 @p0 s7, s6  }
0xab: {  	[sflag:s6] =	ssyncadd.remote.s32 @p0 $0x1;
	_ =	sdelay $0x1  }
0xac: {  	s6 =	simm.s32 @p0 $0x1B8D  }
0xad: {  	_ =	swait.eq @p0 [sflag:s6], $0x1  }
0xae: {  	[sflag:s6] =	ssyncadd.s32 @p0 $0xFFFFFFFF  }
0xaf: {  	s7 =	sshll.u32 @!p0 s1, $0xE  }
0xb0: {  	s7 =	sor.u32 @!p0 $0x4000, s7;
	s6 =	simm.s32 @!p0 $0x1B8D  }
0xb1: {  	s5 =	sshll.u32 @!p0 s5, $0x11;
	s7 =	sadd.s32 @!p0 $0x11B8D, s7;
	_ =	swait.eq @!p0 [sflag:s6], $0x1  }
0xb2: {  	s5 =	sor.u32 @!p0 s5, s7;
	[sflag:s6] =	ssyncadd.s32 @!p0 $0xFFFFFFFF  }
0xb3: {  	s25 =	simm.s32 $0x1B8E;
	s24 =	sld [smem:$0x3FFE];
	[sflag:s5] =	ssyncadd.remote.s32 @!p0 $0x1  }
0xb4: {  	s26 =	simm.s32 $execute0_lowered;
	[smem:$0x3FD2] =	sst s25  }
0xb5: {  	s6 =	sshll.u32 s26, $0x1;
	_ =	strace $0x80000049;
	[dreg:$0x1] =	wrdreg $0xFFFFFFFF  }
0xb6: {  	s28 =	simm.s32 $_size_execute0_lowered;
	s4 =	sadd.s32 s4, s6;
	[dreg:$0x0] =	wrdreg $0x0  }
0xb7: {  	s6 =	sshll.u32 s28, $0x1;
	[dreg:$0x2] =	wrdreg s4  }
0xb8: {  	[dreg:$0x3] =	wrdreg s6  }
0xb9: {  	[dreg:$0x4] =	wrdreg $0xC0  }
0xba: {  	_ =	task [dreg:s22], $0x5FFFF  }
0xbb: {  	[dreg:$0x1] =	wrdreg $0xFFFFFFFF  }
0xbc: {  	[dreg:$0x0] =	wrdreg $0x60  }
0xbd: {  	[dreg:$0x2] =	wrdreg s24  }
0xbe: {  	[dreg:$0x3] =	wrdreg s18  }
0xbf: {  	[dreg:$0x4] =	wrdreg $0xA  }
0xc0: {  	_ =	task.clear_ibuf [dreg:s22], $0x5FFFF;
	_ =	strace $0x90000049  }
0xc1: {  	s29 =	simm.s32 $0xA;
	_ =	strace $0x8000004B  }
0xc2: {  	_ =	swait.ge [sflag:s29], $0x1  }
0xc3: {  	[sflag:s29] =	ssyncadd.s32 $0xFFFFFFFF  }
0xc4: {  	_ =	strace $0x9000004B  }
0xc5: {  	_ =	sfence  }
0xc6: {  	s30 =	sld [smem:$0x0];
	_ =	sdelay $0x2  }
0xc7: {  	s31 =	sshll.u32 s1, $0xD;
	s1 =	sshrl.u32 s1, $0x2  }
0xc8: {  	s4 =	sand.u32 $0x4000, s31;
	s1 =	sadd.s32 s1, s30  }
0xc9: {  	s0 =	sor.u32 s4, s0;
	s1 =	sshll.u32 s1, $0x11  }
0xca: {  	s0 =	sor.u32 s1, s0  }
0xcb: {  	s0 =	sadd.s32 $0x8F2B, s0  }
0xcc: {  	[sflag:s0] =	ssyncadd.remote.s32 $0x1  }
0xcd: {  	_ =	sfence.sel $0xFFFF  }
0xce: {  	[dreg:$0x0] =	wrdreg $0xFFFFFFFF;
	(pc) =	sbr.abs _section_cstart, $3  }
0xcf: {  	[dreg:$0x1] =	wrdreg $0xFFFFFFFF  }
0xd0: {  	_ =	task.clear_ibuf [dreg:s22], $0x2FFFF;
	_ =	strace $0x9FFFFFFF  }
0xd1: {  	(tm) =	ssettm $0x7FFFFFFF  }
tec
execute0_lowered:
.L_overlay_start_1:
0x0: {  	(tag) =	ssettag $0x1  }
0x1: {  	s12 =	rddreg [dreg:$0x0]  }
0x2: {  	s3 =	rddreg [dreg:$0x1];
	s1 =	srdreg.scid  }
0x3: {  	s0 =	rddreg [dreg:$0x2];
	s18 =	sand.u32 $0x1, s1  }
0x4: {  	s2 =	simm.s32 $0x0;
	s1 =	stileid.u32;
	s4 =	sshll.u32 s18, $0x6  }
0x5: {  	[smem:$0x7FF] =	sst s2;
	s5 =	sshll.u32 s1, $0x7;
	s3 =	sadd.s32 s3, s4  }
0x6: {  	_ =	strace $0x8000004A;
	s4 =	simm.s32 $0x3;
	s3 =	sadd.s32 s5, s3  }
0x7: {  	[tilespmem:s2], [sflag:$0x3] =	stream.linear.gather [hbm4b:s3+s2], $0x200, $0x38;
	[tilespmem:$0xC200] =	vst v63  }
0x8: {  	_ =	swait.ge [sflag:s4], $0x200  }
0x9: {  	s6 =	simm.s32 $0x80;
	[sflag:s4] =	ssyncset.done $0x0  }
0xa: {  	s7 =	simm.s32 $0x200;
	s5 =	sadd.s32 $0x43600, s12;
	[sflag:s4] =	ssyncadd.s32 $0xFFFFFE00  }
0xb: {  	[tilespmem:s7], [sflag:$0x1] =	stream.indirect.gather [hbm4b:s5+s6], $0x80, s2, s6, $0xb8;
	[tilespmem:$0xC200] =	vst v63  }
0xc: {  	s8 =	simm.s32 $0x4200;
	s9 =	simm.s32 $0x100;
	s10 =	simm.s32 $0x8200  }
0xd: {  	[tilespmem:s8], [sflag:$0x1] =	stream.indirect.gather [hbm4b:s5+s6], $0x80, s6, s6, $0xb8;
	[tilespmem:$0xC200] =	vst v63  }
0xe: {  	s11 =	simm.s32 $0x1;
	s13 =	sshll.u32 s1, $0xE;
	s14 =	sshll.u32 s18, $0xD  }
0xf: {  	[tilespmem:s10], [sflag:$0x1] =	stream.indirect.gather [hbm4b:s5+s6], $0x80, s9, s6, $0xb8;
	[tilespmem:$0xC200] =	vst v63  }
0x10: {  	s13 =	sor.u32 s14, s13;
	_ =	swait.ge [sflag:s11], $0x4000  }
0x11: {  	s17 =	sadd.s32 s13, s12;
	[sflag:s11] =	ssyncset.done $0x0  }
0x12: {  	s12 =	simm.s32 $0x2;
	s13 =	sadd.s32 $0x106C00, s17;
	[sflag:s11] =	ssyncadd.s32 $0xFFFFC000  }
0x13: {  	[hbm4b:s13+s2] =	stream.linear.scatter [tilespmem:s7], [sflag:$0x2], $0x4000, $0x38;
	[tilespmem:$0xC200] =	vst v63  }
0x14: {  	_ =	swait.ge [sflag:s12], $0x4000  }
0x15: {  	[sflag:s12] =	ssyncset.done $0x0  }
0x16: {  	s14 =	simm.s32 $0x180;
	[sflag:s12] =	ssyncadd.s32 $0xFFFFC000  }
0x17: {  	[tilespmem:s7], [sflag:$0x1] =	stream.indirect.gather [hbm4b:s5+s6], $0x80, s14, s6, $0xb8;
	[tilespmem:$0xC200] =	vst v63  }
0x18: {  	_ =	swait.ge [sflag:s11], $0x4000  }
0x19: {  	[sflag:s11] =	ssyncset.done $0x0  }
0x1a: {  	s15 =	sadd.s32 $0x107400, s17;
	[sflag:s11] =	ssyncadd.s32 $0xFFFFC000  }
0x1b: {  	[hbm4b:s15+s2] =	stream.linear.scatter [tilespmem:s8], [sflag:$0x2], $0x4000, $0x38;
	[tilespmem:$0xC200] =	vst v63  }
0x1c: {  	_ =	swait.ge [sflag:s11], $0x4000  }
0x1d: {  	[sflag:s11] =	ssyncset.done $0x0  }
0x1e: {  	s16 =	sadd.s32 $0x107C00, s17;
	[sflag:s11] =	ssyncadd.s32 $0xFFFFC000  }
0x1f: {  	[hbm4b:s16+s2] =	stream.linear.scatter [tilespmem:s10], [sflag:$0x2], $0x4000, $0x38;
	[tilespmem:$0xC200] =	vst v63  }
0x20: {  	_ =	swait.ge [sflag:s11], $0x4000  }
0x21: {  	s18 =	ssub.s32 $0x2, s18;
	[sflag:s11] =	ssyncset.done $0x0  }
0x22: {  	s19 =	sshrl.u32 s18, $0x1;
	s17 =	sadd.s32 $0x108400, s17;
	[sflag:s11] =	ssyncadd.s32 $0xFFFFC000  }
0x23: {  	[hbm4b:s17+s2] =	stream.linear.scatter [tilespmem:s7], [sflag:$0x2], $0x4000, $0x38;
	[tilespmem:$0xC200] =	vst v63  }
0x24: {  	s18 =	ssub.s32 s18, s19;
	_ =	swait.ge [sflag:s12], $0x4000  }
0x25: {  	s18 =	smax.u32 s18, $0x1;
	[sflag:s12] =	ssyncset.done $0x0  }
0x26: {  	p0 =	sne.s32 s18, $0x1;
	[sflag:s12] =	ssyncadd.s32 $0xFFFFC000  }
.Ltmp0:
0x27: {  	_ =	swait.ge [sflag:s12], $0x4000;
	(pc) =	sbr.rel @!p0 .LBB2_2-.Ltmp0, $4  }
0x28: {  	[sflag:s12] =	ssyncset.done $0x0  }
0x29: {  	[sflag:s12] =	ssyncadd.s32 $0xFFFFC000  }
0x2a: {  	_ =	swait.ge [sflag:s12], $0x4000  }
0x2b: {  	s18 =	sadd.s32 $0xFFFFFFFF, s18;
	[sflag:s12] =	ssyncset.done $0x0  }
.LBB2_1:
0x2c: {  	p0 =	sne.s32 s18, $0x1;
	s18 =	sadd.s32 $0xFFFFFFFF, s18;
	[sflag:s12] =	ssyncadd.s32 $0xFFFFC000  }
0x2d: {  	[tilespmem:s2], [sflag:$0x3] =	stream.linear.gather [hbm4b:s3+s2], $0x200, $0x38;
	[tilespmem:$0xC200] =	vst v63  }
0x2e: {  	_ =	swait.ge [sflag:s4], $0x200  }
0x2f: {  	[sflag:s4] =	ssyncset.done $0x0  }
0x30: {  	[sflag:s4] =	ssyncadd.s32 $0xFFFFFE00  }
0x31: {  	[tilespmem:s7], [sflag:$0x1] =	stream.indirect.gather [hbm4b:s5+s6], $0x80, s2, s6, $0xb8;
	[tilespmem:$0xC200] =	vst v63  }
0x32: {  	_ = 	snop  }
0x33: {  	[tilespmem:s8], [sflag:$0x1] =	stream.indirect.gather [hbm4b:s5+s6], $0x80, s6, s6, $0xb8;
	[tilespmem:$0xC200] =	vst v63  }
0x34: {  	_ = 	snop  }
0x35: {  	[tilespmem:s10], [sflag:$0x1] =	stream.indirect.gather [hbm4b:s5+s6], $0x80, s9, s6, $0xb8;
	[tilespmem:$0xC200] =	vst v63  }
0x36: {  	_ =	swait.ge [sflag:s11], $0x4000  }
0x37: {  	[sflag:s11] =	ssyncset.done $0x0  }
0x38: {  	[sflag:s11] =	ssyncadd.s32 $0xFFFFC000  }
0x39: {  	[hbm4b:s13+s2] =	stream.linear.scatter [tilespmem:s7], [sflag:$0x2], $0x4000, $0x38;
	[tilespmem:$0xC200] =	vst v63  }
0x3a: {  	_ =	swait.ge [sflag:s12], $0x4000  }
0x3b: {  	[sflag:s12] =	ssyncset.done $0x0  }
0x3c: {  	[sflag:s12] =	ssyncadd.s32 $0xFFFFC000  }
0x3d: {  	[tilespmem:s7], [sflag:$0x1] =	stream.indirect.gather [hbm4b:s5+s6], $0x80, s14, s6, $0xb8;
	[tilespmem:$0xC200] =	vst v63  }
0x3e: {  	_ =	swait.ge [sflag:s11], $0x4000  }
0x3f: {  	[sflag:s11] =	ssyncset.done $0x0  }
0x40: {  	[sflag:s11] =	ssyncadd.s32 $0xFFFFC000  }
0x41: {  	[hbm4b:s15+s2] =	stream.linear.scatter [tilespmem:s8], [sflag:$0x2], $0x4000, $0x38;
	[tilespmem:$0xC200] =	vst v63  }
0x42: {  	_ =	swait.ge [sflag:s11], $0x4000  }
0x43: {  	[sflag:s11] =	ssyncset.done $0x0  }
0x44: {  	[sflag:s11] =	ssyncadd.s32 $0xFFFFC000  }
0x45: {  	[hbm4b:s16+s2] =	stream.linear.scatter [tilespmem:s10], [sflag:$0x2], $0x4000, $0x38;
	[tilespmem:$0xC200] =	vst v63  }
0x46: {  	_ =	swait.ge [sflag:s11], $0x4000  }
0x47: {  	[sflag:s11] =	ssyncset.done $0x0  }
0x48: {  	[sflag:s11] =	ssyncadd.s32 $0xFFFFC000  }
0x49: {  	[hbm4b:s17+s2] =	stream.linear.scatter [tilespmem:s7], [sflag:$0x2], $0x4000, $0x38;
	[tilespmem:$0xC200] =	vst v63  }
0x4a: {  	_ =	swait.ge [sflag:s12], $0x4000  }
0x4b: {  	[sflag:s12] =	ssyncset.done $0x0  }
0x4c: {  	[sflag:s12] =	ssyncadd.s32 $0xFFFFC000  }
.Ltmp1:
0x4d: {  	_ =	swait.ge [sflag:s12], $0x4000;
	(pc) =	sbr.rel @p0 .LBB2_1-.Ltmp1, $4  }
0x4e: {  	[sflag:s12] =	ssyncset.done $0x0  }
0x4f: {  	[sflag:s12] =	ssyncadd.s32 $0xFFFFC000  }
0x50: {  	_ =	swait.ge [sflag:s12], $0x4000  }
0x51: {  	[sflag:s12] =	ssyncset.done $0x0  }
.LBB2_2:
0x52: {  	[sflag:s12] =	ssyncadd.s32 $0xFFFFC000  }
0x53: {  	_ =	sfence.sel $0x180000  }
0x54: {  	[bflag:$0x0] =	sbarrier.arrive $0xFFFF  }
0x55: {  	p0 =	sne.s32 s1, $0x0;
	_ =	strace $0x9000004A  }
0x56: {  	s0 =	sadd.s32 @!p0 $0x100000, s0;
	[bflag:$0x2] =	sbarrier.arrive $0xFFFF  }
0x57: {  	[sflag:s0] =	ssyncadd.tile.s32 @!p0 $0x1;
	_ =	shalt  }
.Lfunc_end2:
_tile_overlayer_lowered:
.L_overlay_start_2:
0x58: {  	(tag) =	ssettag $0x2  }
0x59: {  	s0 =	rddreg [dreg:$0x0];
	s2 =	stileid.u32  }
0x5a: {  	s1 =	rddreg [dreg:$0x1];
	p0 =	sne.s32 s2, $0x0  }
0x5b: {  	s3 =	rddreg [dreg:$0x2];
	[bflag:$0x3] =	sbarrier.arrive $0xFFFF;
	s2 =	simm.s32 @!p0 $0x1C03  }
0x5c: {  	[timem:s3], [sflag:s2] =	dma.local @!p0 [hbm:s0], s1  }
0x5d: {  	s0 =	simm.s32 @!p0 $0x3  }
0x5e: {  	_ =	swait.ge @!p0 [sflag:s0], s1  }
0x5f: {  	s1 =	ssub.s32 @!p0 $0x0, s1;
	[sflag:s0] =	ssyncset.done @!p0 $0x0  }
0x60: {  	[sflag:s0] =	ssyncadd.s32 @!p0 s1  }
0x61: {  	[bflag:$0x3] =	sbarrier.arrive $0xFFFF  }
0x62: {  	_ =	shalt  }

</sc_bundles>
